<compile_context>
chip_gen: v7x
topology: tpu7x:2x2x1
jax: 0.10.2.dev20260603
libtpu: 0.0.44.dev20260713+nightly
codegen_flags: <defaults>
</compile_context>

<pallas_src>
import functools

import jax
import jax.numpy as jnp
import numpy as np
from jax import lax
from jax.experimental import pallas as pl
from jax.experimental.pallas import tpu as pltpu
from jax.experimental.pallas import tpu_sc as plsc

N_NODES = 10000
N_EDGES = 160000
D_IN = 8
D_SH = 4
D_OUT = 16
D_PAD = 16
P = D_IN * D_SH
WNUM = P * D_OUT

NC = 2
NS = 16
NW = NC * NS
BPW = N_EDGES // NW
SC_CHUNK = 1000

TILE_E = 3200


def _build_consts():
    p1r = np.zeros((D_PAD, WNUM), np.float32)
    p2r = np.zeros((D_SH, WNUM), np.float32)
    fold = np.zeros((WNUM, D_OUT), np.float32)
    inv = 1.0 / np.sqrt(P)
    for i in range(D_IN):
        for s in range(D_SH):
            p_idx = i * D_SH + s
            for o in range(D_OUT):
                c = p_idx * D_OUT + o
                p1r[i, c] = 1.0
                p2r[s, c] = 1.0
                fold[c, o] = inv
    return jnp.asarray(p1r), jnp.asarray(p2r), jnp.asarray(fold)



def _sc_gather(table, dst_idx):
    mesh = plsc.VectorSubcoreMesh(core_axis_name="c", subcore_axis_name="s")

    @functools.partial(
        pl.kernel,
        mesh=mesh,
        out_type=jax.ShapeDtypeStruct((N_EDGES, D_PAD), jnp.float32),
        compiler_params=pltpu.CompilerParams(use_tc_tiling_on_sc=False),
        scratch_types=[
            pltpu.VMEM((BPW,), jnp.int32),
            pltpu.VMEM((BPW, D_PAD), jnp.float32),
            pltpu.SemaphoreType.DMA,
        ],
    )
    def gather_k(table_hbm, idx_hbm, out_hbm, idx_v, rows_v, sem):
        wid = lax.axis_index("s") * NC + lax.axis_index("c")
        base = wid * BPW
        pltpu.sync_copy(idx_hbm.at[pl.ds(base, BPW)], idx_v)
        pltpu.async_copy(table_hbm.at[idx_v], rows_v, sem).wait()
        pltpu.sync_copy(rows_v, out_hbm.at[pl.ds(base, BPW)])

    return gather_k(table, dst_idx)



def _sc_scatter(tp, src_idx, zeros_init, ones_rows):
    mesh = plsc.VectorSubcoreMesh(core_axis_name="c", subcore_axis_name="s")

    @functools.partial(
        pl.kernel,
        mesh=mesh,
        out_type=(
            jax.ShapeDtypeStruct((NC, N_NODES, D_OUT), jnp.float32),
            jax.ShapeDtypeStruct((NC, N_NODES, D_OUT), jnp.float32),
        ),
        compiler_params=pltpu.CompilerParams(use_tc_tiling_on_sc=False),
        scratch_types=[
            pltpu.VMEM((SC_CHUNK,), jnp.int32),
            pltpu.VMEM((SC_CHUNK, D_OUT), jnp.float32),
            pltpu.VMEM((SC_CHUNK, D_OUT), jnp.float32),
            pltpu.VMEM_SHARED((N_NODES, D_OUT), jnp.float32),
            pltpu.VMEM_SHARED((N_NODES, D_OUT), jnp.float32),
        ],
    )
    def scatter_k(tp_hbm, idx_hbm, zeros_hbm, ones_hbm,
                  outsum_hbm, outcnt_hbm,
                  idx_v, rows_v, ones_v, acc_sum, acc_cnt):
        cid = lax.axis_index("c")
        sid = lax.axis_index("s")

        @pl.when(sid == 0)
        def _():
            pltpu.sync_copy(zeros_hbm, acc_sum)
            pltpu.sync_copy(zeros_hbm, acc_cnt)

        plsc.subcore_barrier()
        pltpu.sync_copy(ones_hbm, ones_v)
        wid = sid * NC + cid
        base = wid * BPW
        for k in range(BPW // SC_CHUNK):
            off = base + k * SC_CHUNK
            pltpu.sync_copy(idx_hbm.at[pl.ds(off, SC_CHUNK)], idx_v)
            pltpu.sync_copy(tp_hbm.at[pl.ds(off, SC_CHUNK)], rows_v)
            pltpu.sync_copy(rows_v, acc_sum.at[idx_v], add=True)
            pltpu.sync_copy(ones_v, acc_cnt.at[idx_v], add=True)
        plsc.subcore_barrier()

        @pl.when(sid == 0)
        def _():
            pltpu.sync_copy(acc_sum, outsum_hbm.at[cid])
            pltpu.sync_copy(acc_cnt, outcnt_hbm.at[cid])

    return scatter_k(tp, src_idx, zeros_init, ones_rows)



def _dot0(lhs_t, rhs):
    return lax.dot_general(lhs_t, rhs, (((0,), (0,)), ((), ())),
                           preferred_element_type=jnp.float32)


def _tc_compute_body(eat_ref, xgt_ref, sht_ref, w1_ref, b1_ref, w2_ref,
                     b2_ref, p1r_ref, p2r_ref, fold_ref, out_ref):
    f32 = jnp.float32
    bf = jnp.bfloat16
    h = jnp.maximum(_dot0(eat_ref[...].astype(bf), w1_ref[...])
                    + b1_ref[...], 0.0)
    m = jnp.dot(h.astype(bf), w2_ref[...], preferred_element_type=f32)
    m = m + b2_ref[...]
    xsr = (_dot0(xgt_ref[...], p1r_ref[...])
           * _dot0(sht_ref[...].astype(bf), p2r_ref[...]))
    q = (m * xsr).astype(bf)
    out_ref[...] = lax.dot_general(fold_ref[...], q, (((0,), (1,)), ((), ())),
                                   preferred_element_type=f32)


def _tc_compute(ea_t, xgt_bf, sh_t, w1, b1, w2, b2, p1r, p2r, fold):
    grid = (N_EDGES // TILE_E,)
    full = lambda a: pl.BlockSpec(a.shape, lambda i: (0,) * a.ndim)
    return pl.pallas_call(
        _tc_compute_body,
        grid=grid,
        in_specs=[
            pl.BlockSpec((64, TILE_E), lambda i: (0, i)),
            pl.BlockSpec((D_PAD, TILE_E), lambda i: (0, i)),
            pl.BlockSpec((D_SH, TILE_E), lambda i: (0, i)),
            full(w1), full(b1), full(w2), full(b2),
            full(p1r), full(p2r), full(fold),
        ],
        out_specs=pl.BlockSpec((D_OUT, TILE_E), lambda i: (0, i)),
        out_shape=jax.ShapeDtypeStruct((D_OUT, N_EDGES), jnp.float32),
    )(ea_t, xgt_bf, sh_t, w1, b1, w2, b2, p1r, p2r, fold)



def _tc_finalize_body(sumst_ref, cntst_ref, napadt_ref, g_ref, b_ref, out_ref):
    s = sumst_ref[:, :N_NODES] + sumst_ref[:, N_NODES:]
    c = cntst_ref[:, :N_NODES] + cntst_ref[:, N_NODES:]
    out0 = s / jnp.maximum(c, 1.0) + napadt_ref[...]
    mean = jnp.mean(out0, axis=1, keepdims=True)
    var = jnp.mean((out0 - mean) ** 2, axis=1, keepdims=True)
    out_ref[...] = (out0 - mean) * lax.rsqrt(var + 1e-5) * g_ref[...] + b_ref[...]


def _tc_finalize(sums_t, cnts_t, napad_t, gamma, beta):
    return pl.pallas_call(
        _tc_finalize_body,
        out_shape=jax.ShapeDtypeStruct((D_OUT, N_NODES), jnp.float32),
    )(sums_t, cnts_t, napad_t, gamma, beta)


def kernel(node_attr, edge_index, edge_attr, edge_sh, W1, b1, W2, b2,
           bn_gamma, bn_beta):
    bf = jnp.bfloat16
    p1r, p2r, fold = _build_consts()
    edge_index = edge_index.astype(jnp.int32)
    edge_dst = edge_index[1]
    edge_src = edge_index[0]
    napad = jnp.pad(node_attr, ((0, 0), (0, D_PAD - D_IN)))

    xg = _sc_gather(napad, edge_dst)
    xgt_bf = xg.T.astype(bf)
    tpt = _tc_compute(edge_attr.T, xgt_bf, edge_sh.T, W1.astype(bf),
                      b1.reshape(1, -1), W2.astype(bf), b2.reshape(1, -1),
                      p1r.astype(bf), p2r.astype(bf), fold.astype(bf))
    tp = tpt.T
    zeros_init = jnp.zeros((N_NODES, D_OUT), jnp.float32)
    ones_rows = jnp.ones((SC_CHUNK, D_OUT), jnp.float32)
    sums, cnts = _sc_scatter(tp, edge_src, zeros_init, ones_rows)
    sums_t = sums.reshape(2 * N_NODES, D_OUT).T
    cnts_t = cnts.reshape(2 * N_NODES, D_OUT).T
    napad_t = jnp.pad(node_attr.T, ((0, D_PAD - D_IN), (0, 0)))
    out_t = _tc_finalize(sums_t, cnts_t, napad_t, bn_gamma.reshape(-1, 1),
                         bn_beta.reshape(-1, 1))
    return out_t.T

# --- scband reference (transcript-rebuilt; emitter-appended) ---
"""Pipeline reference for scband-tensor-product-conv-layer-13657996001870 (READ-ONLY COPY).

The authoritative reference and input builder live on the scoring server;
editing this copy changes nothing except your own understanding.
"""

import jax, jax.numpy as jnp
import numpy as np

N_NODES = 10000
N_EDGES = 160000
D_IN = 8
D_SH = 4
D_OUT = 16
D_EDGE = 64
HIDDEN = 64
WEIGHT_NUMEL = D_IN * D_SH * D_OUT


def setup_inputs(seed: int = 0):
    key = jax.random.key(seed)
    ks = jax.random.split(key, 8)
    node_attr = jax.random.normal(ks[0], (N_NODES, D_IN), dtype=jnp.float32)
    edge_index = jax.random.randint(ks[1], (2, N_EDGES), 0, N_NODES).astype(jnp.int64)
    edge_attr = jax.random.normal(ks[2], (N_EDGES, D_EDGE), dtype=jnp.float32)
    edge_sh = jax.random.normal(ks[3], (N_EDGES, D_SH), dtype=jnp.float32)
    W1 = jax.random.normal(ks[4], (D_EDGE, HIDDEN), dtype=jnp.float32) * (1.0 / np.sqrt(D_EDGE))
    b1 = jnp.zeros((HIDDEN,), jnp.float32)
    W2 = jax.random.normal(ks[5], (HIDDEN, WEIGHT_NUMEL), dtype=jnp.float32) * (1.0 / np.sqrt(HIDDEN))
    b2 = jnp.zeros((WEIGHT_NUMEL,), jnp.float32)
    bn_gamma = jnp.ones((D_OUT,), jnp.float32)
    bn_beta = jnp.zeros((D_OUT,), jnp.float32)
    return {"node_attr": node_attr, "edge_index": edge_index, "edge_attr": edge_attr,
            "edge_sh": edge_sh, "W1": W1, "b1": b1, "W2": W2, "b2": b2,
            "bn_gamma": bn_gamma, "bn_beta": bn_beta}


def reference(node_attr, edge_index, edge_attr, edge_sh, W1, b1, W2, b2, bn_gamma, bn_beta):
    E = edge_attr.shape[0]
    d_in = node_attr.shape[1]
    d_sh = edge_sh.shape[1]
    d_out = W2.shape[1] // (d_in * d_sh)
    edge_src = edge_index[0]
    edge_dst = edge_index[1]
    # fc: edge_attr -> per-edge tensor-product weights
    h = jax.nn.relu(edge_attr @ W1 + b1)
    w = (h @ W2 + b2).reshape(E, d_in * d_sh, d_out)
    # gather destination node features (SparseCore gather)
    x = jnp.take(node_attr, edge_dst, axis=0)
    # fully-connected tensor product for scalar irreps (0e x 0e -> 0e):
    # out[e,o] = sum_{i,s} w[e,i,s,o] * x[e,i] * sh[e,s] / sqrt(d_in*d_sh)
    xs = (x[:, :, None] * edge_sh[:, None, :]).reshape(E, d_in * d_sh)
    tp = jnp.einsum('ep,epo->eo', xs, w) / np.sqrt(d_in * d_sh)
    # scatter-mean into source nodes (SparseCore scatter-add + count)
    out_nodes = node_attr.shape[0]
    summed = jax.ops.segment_sum(tp, edge_src, num_segments=out_nodes)
    counts = jax.ops.segment_sum(jnp.ones((E,), jnp.float32), edge_src, num_segments=out_nodes)
    out = summed / jnp.maximum(counts, 1.0)[:, None]
    # residual with zero-padding of node_attr up to d_out
    pad = out.shape[-1] - node_attr.shape[-1]
    out = out + jnp.pad(node_attr, ((0, 0), (0, pad)))
    # e3nn BatchNorm for scalar irreps: per-channel normalization over nodes + affine
    mean = out.mean(axis=0)
    var = out.var(axis=0)
    out = (out - mean) / jnp.sqrt(var + 1e-5) * bn_gamma + bn_beta
    return out

if __name__ == "__main__":
    import jax
    _d = setup_inputs()
    print(jax.jit(kernel)(*tuple(_d.values())))

</pallas_src>

<mosaic_0001>
#map = affine_map<(d0, d1) -> (0, 0)>
#map1 = affine_map<(d0, d1) -> (0)>
#map2 = affine_map<(d0, d1) -> (0, 0, 0)>
module attributes {stable_mosaic.version = 14 : i64} {
  func.func @scatter_k(%arg0: i32, %arg1: i32, %arg2: memref<160000x16xf32, #tpu.memory_space<hbm>>, %arg3: memref<160000xi32, #tpu.memory_space<hbm>>, %arg4: memref<10000x16xf32, #tpu.memory_space<hbm>>, %arg5: memref<1000x16xf32, #tpu.memory_space<hbm>>, %arg6: memref<2x10000x16xf32, #tpu.memory_space<hbm>>, %arg7: memref<2x10000x16xf32, #tpu.memory_space<hbm>>, %arg8: memref<1000xi32, #tpu.memory_space<vmem>>, %arg9: memref<1000x16xf32, #tpu.memory_space<vmem>>, %arg10: memref<1000x16xf32, #tpu.memory_space<vmem>>, %arg11: memref<10000x16xf32, #tpu.memory_space<vmem_shared>>, %arg12: memref<10000x16xf32, #tpu.memory_space<vmem_shared>>) attributes {dimension_semantics = [#tpu.dimension_semantics<core_parallel>, #tpu.dimension_semantics<subcore_parallel>], iteration_bounds = array<i64: 2, 16>, scalar_prefetch = 0 : i64, scratch_operands = 5 : i64, tpu.core_type = #tpu.core_type<sc_vector_subcore>, window_params = [{transform_indices = #map}, {transform_indices = #map1}, {transform_indices = #map}, {transform_indices = #map}, {transform_indices = #map2}, {transform_indices = #map2}]} {
    %eq3A = arith.constant 0 : i32
    %eq3A_0 = arith.cmpi eq, %arg1, %eq3A : i32
    %convert_element_type3A = arith.extui %eq3A_0 : i1 to i32
    %cond3A = arith.constant 0 : i32
    %cond3A_1 = arith.cmpi ne, %convert_element_type3A, %cond3A : i32
    scf.if %cond3A_1 {
      "tpu.region"() ({
        %run_scoped3A = tpu.sem_alloc : memref<!tpu.dma_semaphore, #tpu.memory_space<semaphore_mem>>
        tpu.enqueue_dma source(%arg4 : memref<10000x16xf32, #tpu.memory_space<hbm>>) target(%arg11 : memref<10000x16xf32, #tpu.memory_space<vmem_shared>>) target_semaphore(%run_scoped3A : memref<!tpu.dma_semaphore, #tpu.memory_space<semaphore_mem>>)
        tpu.wait_dma2 semaphore(%run_scoped3A : memref<!tpu.dma_semaphore, #tpu.memory_space<semaphore_mem>>) src(%arg4 : memref<10000x16xf32, #tpu.memory_space<hbm>>) dst(%arg11 : memref<10000x16xf32, #tpu.memory_space<vmem_shared>>)
        tpu.yield
      }) : () -> ()
      "tpu.region"() ({
        %run_scoped3A = tpu.sem_alloc : memref<!tpu.dma_semaphore, #tpu.memory_space<semaphore_mem>>
        tpu.enqueue_dma source(%arg4 : memref<10000x16xf32, #tpu.memory_space<hbm>>) target(%arg12 : memref<10000x16xf32, #tpu.memory_space<vmem_shared>>) target_semaphore(%run_scoped3A : memref<!tpu.dma_semaphore, #tpu.memory_space<semaphore_mem>>)
        tpu.wait_dma2 semaphore(%run_scoped3A : memref<!tpu.dma_semaphore, #tpu.memory_space<semaphore_mem>>) src(%arg4 : memref<10000x16xf32, #tpu.memory_space<hbm>>) dst(%arg12 : memref<10000x16xf32, #tpu.memory_space<vmem_shared>>)
        tpu.yield
      }) : () -> ()
    } else {
    }
    %barrier3A = arith.constant 0 : index
    tpu.barrier barrier_id(%barrier3A)
    "tpu.region"() ({
      %run_scoped3A = tpu.sem_alloc : memref<!tpu.dma_semaphore, #tpu.memory_space<semaphore_mem>>
      tpu.enqueue_dma source(%arg5 : memref<1000x16xf32, #tpu.memory_space<hbm>>) target(%arg10 : memref<1000x16xf32, #tpu.memory_space<vmem>>) target_semaphore(%run_scoped3A : memref<!tpu.dma_semaphore, #tpu.memory_space<semaphore_mem>>)
      tpu.wait_dma2 semaphore(%run_scoped3A : memref<!tpu.dma_semaphore, #tpu.memory_space<semaphore_mem>>) src(%arg5 : memref<1000x16xf32, #tpu.memory_space<hbm>>) dst(%arg10 : memref<1000x16xf32, #tpu.memory_space<vmem>>)
      tpu.yield
    }) : () -> ()
    %mul3A = arith.constant 2 : i32
    %mul3A_2 = arith.muli %arg1, %mul3A : i32
    %add3A = arith.addi %mul3A_2, %arg0 : i32
    %mul3A_3 = arith.constant 5000 : i32
    %mul3A_4 = arith.muli %add3A, %mul3A_3 : i32
    %add3A_5 = arith.constant 0 : i32
    %add3A_6 = arith.addi %mul3A_4, %add3A_5 : i32
    "tpu.region"() ({
      %run_scoped3A = tpu.sem_alloc : memref<!tpu.dma_semaphore, #tpu.memory_space<semaphore_mem>>
      %dma_start3A = tpu.memref_slice %arg3[%add3A_6] : memref<160000xi32, #tpu.memory_space<hbm>> -> memref<1000xi32, #tpu.memory_space<hbm>>
      %dma_start3A_21 = tpu.memref_slice %arg3[%add3A_6] : memref<160000xi32, #tpu.memory_space<hbm>> -> memref<1000xi32, #tpu.memory_space<hbm>>
      tpu.enqueue_dma source(%dma_start3A_21 : memref<1000xi32, #tpu.memory_space<hbm>>) target(%arg8 : memref<1000xi32, #tpu.memory_space<vmem>>) target_semaphore(%run_scoped3A : memref<!tpu.dma_semaphore, #tpu.memory_space<semaphore_mem>>)
      %dma_wait3A = tpu.memref_slice %arg3[%add3A_6] : memref<160000xi32, #tpu.memory_space<hbm>> -> memref<1000xi32, #tpu.memory_space<hbm>>
      %dma_wait3A_22 = tpu.memref_slice %arg3[%add3A_6] : memref<160000xi32, #tpu.memory_space<hbm>> -> memref<1000xi32, #tpu.memory_space<hbm>>
      tpu.wait_dma2 semaphore(%run_scoped3A : memref<!tpu.dma_semaphore, #tpu.memory_space<semaphore_mem>>) src(%dma_wait3A_22 : memref<1000xi32, #tpu.memory_space<hbm>>) dst(%arg8 : memref<1000xi32, #tpu.memory_space<vmem>>)
      tpu.yield
    }) : () -> ()
    "tpu.region"() ({
      %run_scoped3A = tpu.sem_alloc : memref<!tpu.dma_semaphore, #tpu.memory_space<semaphore_mem>>
      %dma_start3A = arith.constant 0 : i32
      %dma_start3A_21 = tpu.memref_slice %arg2[%add3A_6, %dma_start3A] : memref<160000x16xf32, #tpu.memory_space<hbm>> -> memref<1000x16xf32, #tpu.memory_space<hbm>>
      %dma_start3A_22 = arith.constant 0 : i32
      %dma_start3A_23 = tpu.memref_slice %arg2[%add3A_6, %dma_start3A_22] : memref<160000x16xf32, #tpu.memory_space<hbm>> -> memref<1000x16xf32, #tpu.memory_space<hbm>>
      tpu.enqueue_dma source(%dma_start3A_23 : memref<1000x16xf32, #tpu.memory_space<hbm>>) target(%arg9 : memref<1000x16xf32, #tpu.memory_space<vmem>>) target_semaphore(%run_scoped3A : memref<!tpu.dma_semaphore, #tpu.memory_space<semaphore_mem>>)
      %dma_wait3A = arith.constant 0 : i32
      %dma_wait3A_24 = tpu.memref_slice %arg2[%add3A_6, %dma_wait3A] : memref<160000x16xf32, #tpu.memory_space<hbm>> -> memref<1000x16xf32, #tpu.memory_space<hbm>>
      %dma_wait3A_25 = arith.constant 0 : i32
      %dma_wait3A_26 = tpu.memref_slice %arg2[%add3A_6, %dma_wait3A_25] : memref<160000x16xf32, #tpu.memory_space<hbm>> -> memref<1000x16xf32, #tpu.memory_space<hbm>>
      tpu.wait_dma2 semaphore(%run_scoped3A : memref<!tpu.dma_semaphore, #tpu.memory_space<semaphore_mem>>) src(%dma_wait3A_26 : memref<1000x16xf32, #tpu.memory_space<hbm>>) dst(%arg9 : memref<1000x16xf32, #tpu.memory_space<vmem>>)
      tpu.yield
    }) : () -> ()
    "tpu.region"() ({
      %run_scoped3A = tpu.sem_alloc : memref<!tpu.dma_semaphore, #tpu.memory_space<semaphore_mem>>
      %dma_start3A = arith.constant 0 : i32
      %dma_start3A_21 = arith.constant 0 : i32
      %dma_start3A_22 = tpu.memref_slice %arg11[%dma_start3A, %dma_start3A_21] : memref<10000x16xf32, #tpu.memory_space<vmem_shared>> -> memref<10000x16xf32, #tpu.memory_space<vmem_shared>>
      tpu.enqueue_indirect_dma source(%arg9 : memref<1000x16xf32, #tpu.memory_space<vmem>>) target(%dma_start3A_22 : memref<10000x16xf32, #tpu.memory_space<vmem_shared>>) offsets(%arg8 : memref<1000xi32, #tpu.memory_space<vmem>>) semaphore(%run_scoped3A : memref<!tpu.dma_semaphore, #tpu.memory_space<semaphore_mem>>) {add = true}
      %dma_wait3A = arith.constant 0 : i32
      %dma_wait3A_23 = arith.constant 0 : i32
      %dma_wait3A_24 = tpu.memref_slice %arg11[%dma_wait3A, %dma_wait3A_23] : memref<10000x16xf32, #tpu.memory_space<vmem_shared>> -> memref<10000x16xf32, #tpu.memory_space<vmem_shared>>
      tpu.wait_indirect_dma semaphore(%run_scoped3A : memref<!tpu.dma_semaphore, #tpu.memory_space<semaphore_mem>>) src(%arg9 : memref<1000x16xf32, #tpu.memory_space<vmem>>) dst(%dma_wait3A_24 : memref<10000x16xf32, #tpu.memory_space<vmem_shared>>)
      tpu.yield
    }) : () -> ()
    "tpu.region"() ({
      %run_scoped3A = tpu.sem_alloc : memref<!tpu.dma_semaphore, #tpu.memory_space<semaphore_mem>>
      %dma_start3A = arith.constant 0 : i32
      %dma_start3A_21 = arith.constant 0 : i32
      %dma_start3A_22 = tpu.memref_slice %arg12[%dma_start3A, %dma_start3A_21] : memref<10000x16xf32, #tpu.memory_space<vmem_shared>> -> memref<10000x16xf32, #tpu.memory_space<vmem_shared>>
      tpu.enqueue_indirect_dma source(%arg10 : memref<1000x16xf32, #tpu.memory_space<vmem>>) target(%dma_start3A_22 : memref<10000x16xf32, #tpu.memory_space<vmem_shared>>) offsets(%arg8 : memref<1000xi32, #tpu.memory_space<vmem>>) semaphore(%run_scoped3A : memref<!tpu.dma_semaphore, #tpu.memory_space<semaphore_mem>>) {add = true}
      %dma_wait3A = arith.constant 0 : i32
      %dma_wait3A_23 = arith.constant 0 : i32
      %dma_wait3A_24 = tpu.memref_slice %arg12[%dma_wait3A, %dma_wait3A_23] : memref<10000x16xf32, #tpu.memory_space<vmem_shared>> -> memref<10000x16xf32, #tpu.memory_space<vmem_shared>>
      tpu.wait_indirect_dma semaphore(%run_scoped3A : memref<!tpu.dma_semaphore, #tpu.memory_space<semaphore_mem>>) src(%arg10 : memref<1000x16xf32, #tpu.memory_space<vmem>>) dst(%dma_wait3A_24 : memref<10000x16xf32, #tpu.memory_space<vmem_shared>>)
      tpu.yield
    }) : () -> ()
    %add3A_7 = arith.constant 1000 : i32
    %add3A_8 = arith.addi %mul3A_4, %add3A_7 : i32
    "tpu.region"() ({
      %run_scoped3A = tpu.sem_alloc : memref<!tpu.dma_semaphore, #tpu.memory_space<semaphore_mem>>
      %dma_start3A = tpu.memref_slice %arg3[%add3A_8] : memref<160000xi32, #tpu.memory_space<hbm>> -> memref<1000xi32, #tpu.memory_space<hbm>>
      %dma_start3A_21 = tpu.memref_slice %arg3[%add3A_8] : memref<160000xi32, #tpu.memory_space<hbm>> -> memref<1000xi32, #tpu.memory_space<hbm>>
      tpu.enqueue_dma source(%dma_start3A_21 : memref<1000xi32, #tpu.memory_space<hbm>>) target(%arg8 : memref<1000xi32, #tpu.memory_space<vmem>>) target_semaphore(%run_scoped3A : memref<!tpu.dma_semaphore, #tpu.memory_space<semaphore_mem>>)
      %dma_wait3A = tpu.memref_slice %arg3[%add3A_8] : memref<160000xi32, #tpu.memory_space<hbm>> -> memref<1000xi32, #tpu.memory_space<hbm>>
      %dma_wait3A_22 = tpu.memref_slice %arg3[%add3A_8] : memref<160000xi32, #tpu.memory_space<hbm>> -> memref<1000xi32, #tpu.memory_space<hbm>>
      tpu.wait_dma2 semaphore(%run_scoped3A : memref<!tpu.dma_semaphore, #tpu.memory_space<semaphore_mem>>) src(%dma_wait3A_22 : memref<1000xi32, #tpu.memory_space<hbm>>) dst(%arg8 : memref<1000xi32, #tpu.memory_space<vmem>>)
      tpu.yield
    }) : () -> ()
    "tpu.region"() ({
      %run_scoped3A = tpu.sem_alloc : memref<!tpu.dma_semaphore, #tpu.memory_space<semaphore_mem>>
      %dma_start3A = arith.constant 0 : i32
      %dma_start3A_21 = tpu.memref_slice %arg2[%add3A_8, %dma_start3A] : memref<160000x16xf32, #tpu.memory_space<hbm>> -> memref<1000x16xf32, #tpu.memory_space<hbm>>
      %dma_start3A_22 = arith.constant 0 : i32
      %dma_start3A_23 = tpu.memref_slice %arg2[%add3A_8, %dma_start3A_22] : memref<160000x16xf32, #tpu.memory_space<hbm>> -> memref<1000x16xf32, #tpu.memory_space<hbm>>
      tpu.enqueue_dma source(%dma_start3A_23 : memref<1000x16xf32, #tpu.memory_space<hbm>>) target(%arg9 : memref<1000x16xf32, #tpu.memory_space<vmem>>) target_semaphore(%run_scoped3A : memref<!tpu.dma_semaphore, #tpu.memory_space<semaphore_mem>>)
      %dma_wait3A = arith.constant 0 : i32
      %dma_wait3A_24 = tpu.memref_slice %arg2[%add3A_8, %dma_wait3A] : memref<160000x16xf32, #tpu.memory_space<hbm>> -> memref<1000x16xf32, #tpu.memory_space<hbm>>
      %dma_wait3A_25 = arith.constant 0 : i32
      %dma_wait3A_26 = tpu.memref_slice %arg2[%add3A_8, %dma_wait3A_25] : memref<160000x16xf32, #tpu.memory_space<hbm>> -> memref<1000x16xf32, #tpu.memory_space<hbm>>
      tpu.wait_dma2 semaphore(%run_scoped3A : memref<!tpu.dma_semaphore, #tpu.memory_space<semaphore_mem>>) src(%dma_wait3A_26 : memref<1000x16xf32, #tpu.memory_space<hbm>>) dst(%arg9 : memref<1000x16xf32, #tpu.memory_space<vmem>>)
      tpu.yield
    }) : () -> ()
    "tpu.region"() ({
      %run_scoped3A = tpu.sem_alloc : memref<!tpu.dma_semaphore, #tpu.memory_space<semaphore_mem>>
      %dma_start3A = arith.constant 0 : i32
      %dma_start3A_21 = arith.constant 0 : i32
      %dma_start3A_22 = tpu.memref_slice %arg11[%dma_start3A, %dma_start3A_21] : memref<10000x16xf32, #tpu.memory_space<vmem_shared>> -> memref<10000x16xf32, #tpu.memory_space<vmem_shared>>
      tpu.enqueue_indirect_dma source(%arg9 : memref<1000x16xf32, #tpu.memory_space<vmem>>) target(%dma_start3A_22 : memref<10000x16xf32, #tpu.memory_space<vmem_shared>>) offsets(%arg8 : memref<1000xi32, #tpu.memory_space<vmem>>) semaphore(%run_scoped3A : memref<!tpu.dma_semaphore, #tpu.memory_space<semaphore_mem>>) {add = true}
      %dma_wait3A = arith.constant 0 : i32
      %dma_wait3A_23 = arith.constant 0 : i32
      %dma_wait3A_24 = tpu.memref_slice %arg11[%dma_wait3A, %dma_wait3A_23] : memref<10000x16xf32, #tpu.memory_space<vmem_shared>> -> memref<10000x16xf32, #tpu.memory_space<vmem_shared>>
      tpu.wait_indirect_dma semaphore(%run_scoped3A : memref<!tpu.dma_semaphore, #tpu.memory_space<semaphore_mem>>) src(%arg9 : memref<1000x16xf32, #tpu.memory_space<vmem>>) dst(%dma_wait3A_24 : memref<10000x16xf32, #tpu.memory_space<vmem_shared>>)
      tpu.yield
    }) : () -> ()
    "tpu.region"() ({
      %run_scoped3A = tpu.sem_alloc : memref<!tpu.dma_semaphore, #tpu.memory_space<semaphore_mem>>
      %dma_start3A = arith.constant 0 : i32
      %dma_start3A_21 = arith.constant 0 : i32
      %dma_start3A_22 = tpu.memref_slice %arg12[%dma_start3A, %dma_start3A_21] : memref<10000x16xf32, #tpu.memory_space<vmem_shared>> -> memref<10000x16xf32, #tpu.memory_space<vmem_shared>>
      tpu.enqueue_indirect_dma source(%arg10 : memref<1000x16xf32, #tpu.memory_space<vmem>>) target(%dma_start3A_22 : memref<10000x16xf32, #tpu.memory_space<vmem_shared>>) offsets(%arg8 : memref<1000xi32, #tpu.memory_space<vmem>>) semaphore(%run_scoped3A : memref<!tpu.dma_semaphore, #tpu.memory_space<semaphore_mem>>) {add = true}
      %dma_wait3A = arith.constant 0 : i32
      %dma_wait3A_23 = arith.constant 0 : i32
      %dma_wait3A_24 = tpu.memref_slice %arg12[%dma_wait3A, %dma_wait3A_23] : memref<10000x16xf32, #tpu.memory_space<vmem_shared>> -> memref<10000x16xf32, #tpu.memory_space<vmem_shared>>
      tpu.wait_indirect_dma semaphore(%run_scoped3A : memref<!tpu.dma_semaphore, #tpu.memory_space<semaphore_mem>>) src(%arg10 : memref<1000x16xf32, #tpu.memory_space<vmem>>) dst(%dma_wait3A_24 : memref<10000x16xf32, #tpu.memory_space<vmem_shared>>)
      tpu.yield
    }) : () -> ()
    %add3A_9 = arith.constant 2000 : i32
    %add3A_10 = arith.addi %mul3A_4, %add3A_9 : i32
    "tpu.region"() ({
      %run_scoped3A = tpu.sem_alloc : memref<!tpu.dma_semaphore, #tpu.memory_space<semaphore_mem>>
      %dma_start3A = tpu.memref_slice %arg3[%add3A_10] : memref<160000xi32, #tpu.memory_space<hbm>> -> memref<1000xi32, #tpu.memory_space<hbm>>
      %dma_start3A_21 = tpu.memref_slice %arg3[%add3A_10] : memref<160000xi32, #tpu.memory_space<hbm>> -> memref<1000xi32, #tpu.memory_space<hbm>>
      tpu.enqueue_dma source(%dma_start3A_21 : memref<1000xi32, #tpu.memory_space<hbm>>) target(%arg8 : memref<1000xi32, #tpu.memory_space<vmem>>) target_semaphore(%run_scoped3A : memref<!tpu.dma_semaphore, #tpu.memory_space<semaphore_mem>>)
      %dma_wait3A = tpu.memref_slice %arg3[%add3A_10] : memref<160000xi32, #tpu.memory_space<hbm>> -> memref<1000xi32, #tpu.memory_space<hbm>>
      %dma_wait3A_22 = tpu.memref_slice %arg3[%add3A_10] : memref<160000xi32, #tpu.memory_space<hbm>> -> memref<1000xi32, #tpu.memory_space<hbm>>
      tpu.wait_dma2 semaphore(%run_scoped3A : memref<!tpu.dma_semaphore, #tpu.memory_space<semaphore_mem>>) src(%dma_wait3A_22 : memref<1000xi32, #tpu.memory_space<hbm>>) dst(%arg8 : memref<1000xi32, #tpu.memory_space<vmem>>)
      tpu.yield
    }) : () -> ()
    "tpu.region"() ({
      %run_scoped3A = tpu.sem_alloc : memref<!tpu.dma_semaphore, #tpu.memory_space<semaphore_mem>>
      %dma_start3A = arith.constant 0 : i32
      %dma_start3A_21 = tpu.memref_slice %arg2[%add3A_10, %dma_start3A] : memref<160000x16xf32, #tpu.memory_space<hbm>> -> memref<1000x16xf32, #tpu.memory_space<hbm>>
      %dma_start3A_22 = arith.constant 0 : i32
      %dma_start3A_23 = tpu.memref_slice %arg2[%add3A_10, %dma_start3A_22] : memref<160000x16xf32, #tpu.memory_space<hbm>> -> memref<1000x16xf32, #tpu.memory_space<hbm>>
      tpu.enqueue_dma source(%dma_start3A_23 : memref<1000x16xf32, #tpu.memory_space<hbm>>) target(%arg9 : memref<1000x16xf32, #tpu.memory_space<vmem>>) target_semaphore(%run_scoped3A : memref<!tpu.dma_semaphore, #tpu.memory_space<semaphore_mem>>)
      %dma_wait3A = arith.constant 0 : i32
      %dma_wait3A_24 = tpu.memref_slice %arg2[%add3A_10, %dma_wait3A] : memref<160000x16xf32, #tpu.memory_space<hbm>> -> memref<1000x16xf32, #tpu.memory_space<hbm>>
      %dma_wait3A_25 = arith.constant 0 : i32
      %dma_wait3A_26 = tpu.memref_slice %arg2[%add3A_10, %dma_wait3A_25] : memref<160000x16xf32, #tpu.memory_space<hbm>> -> memref<1000x16xf32, #tpu.memory_space<hbm>>
      tpu.wait_dma2 semaphore(%run_scoped3A : memref<!tpu.dma_semaphore, #tpu.memory_space<semaphore_mem>>) src(%dma_wait3A_26 : memref<1000x16xf32, #tpu.memory_space<hbm>>) dst(%arg9 : memref<1000x16xf32, #tpu.memory_space<vmem>>)
      tpu.yield
    }) : () -> ()
    "tpu.region"() ({
      %run_scoped3A = tpu.sem_alloc : memref<!tpu.dma_semaphore, #tpu.memory_space<semaphore_mem>>
      %dma_start3A = arith.constant 0 : i32
      %dma_start3A_21 = arith.constant 0 : i32
      %dma_start3A_22 = tpu.memref_slice %arg11[%dma_start3A, %dma_start3A_21] : memref<10000x16xf32, #tpu.memory_space<vmem_shared>> -> memref<10000x16xf32, #tpu.memory_space<vmem_shared>>
      tpu.enqueue_indirect_dma source(%arg9 : memref<1000x16xf32, #tpu.memory_space<vmem>>) target(%dma_start3A_22 : memref<10000x16xf32, #tpu.memory_space<vmem_shared>>) offsets(%arg8 : memref<1000xi32, #tpu.memory_space<vmem>>) semaphore(%run_scoped3A : memref<!tpu.dma_semaphore, #tpu.memory_space<semaphore_mem>>) {add = true}
      %dma_wait3A = arith.constant 0 : i32
      %dma_wait3A_23 = arith.constant 0 : i32
      %dma_wait3A_24 = tpu.memref_slice %arg11[%dma_wait3A, %dma_wait3A_23] : memref<10000x16xf32, #tpu.memory_space<vmem_shared>> -> memref<10000x16xf32, #tpu.memory_space<vmem_shared>>
      tpu.wait_indirect_dma semaphore(%run_scoped3A : memref<!tpu.dma_semaphore, #tpu.memory_space<semaphore_mem>>) src(%arg9 : memref<1000x16xf32, #tpu.memory_space<vmem>>) dst(%dma_wait3A_24 : memref<10000x16xf32, #tpu.memory_space<vmem_shared>>)
      tpu.yield
    }) : () -> ()
    "tpu.region"() ({
      %run_scoped3A = tpu.sem_alloc : memref<!tpu.dma_semaphore, #tpu.memory_space<semaphore_mem>>
      %dma_start3A = arith.constant 0 : i32
      %dma_start3A_21 = arith.constant 0 : i32
      %dma_start3A_22 = tpu.memref_slice %arg12[%dma_start3A, %dma_start3A_21] : memref<10000x16xf32, #tpu.memory_space<vmem_shared>> -> memref<10000x16xf32, #tpu.memory_space<vmem_shared>>
      tpu.enqueue_indirect_dma source(%arg10 : memref<1000x16xf32, #tpu.memory_space<vmem>>) target(%dma_start3A_22 : memref<10000x16xf32, #tpu.memory_space<vmem_shared>>) offsets(%arg8 : memref<1000xi32, #tpu.memory_space<vmem>>) semaphore(%run_scoped3A : memref<!tpu.dma_semaphore, #tpu.memory_space<semaphore_mem>>) {add = true}
      %dma_wait3A = arith.constant 0 : i32
      %dma_wait3A_23 = arith.constant 0 : i32
      %dma_wait3A_24 = tpu.memref_slice %arg12[%dma_wait3A, %dma_wait3A_23] : memref<10000x16xf32, #tpu.memory_space<vmem_shared>> -> memref<10000x16xf32, #tpu.memory_space<vmem_shared>>
      tpu.wait_indirect_dma semaphore(%run_scoped3A : memref<!tpu.dma_semaphore, #tpu.memory_space<semaphore_mem>>) src(%arg10 : memref<1000x16xf32, #tpu.memory_space<vmem>>) dst(%dma_wait3A_24 : memref<10000x16xf32, #tpu.memory_space<vmem_shared>>)
      tpu.yield
    }) : () -> ()
    %add3A_11 = arith.constant 3000 : i32
    %add3A_12 = arith.addi %mul3A_4, %add3A_11 : i32
    "tpu.region"() ({
      %run_scoped3A = tpu.sem_alloc : memref<!tpu.dma_semaphore, #tpu.memory_space<semaphore_mem>>
      %dma_start3A = tpu.memref_slice %arg3[%add3A_12] : memref<160000xi32, #tpu.memory_space<hbm>> -> memref<1000xi32, #tpu.memory_space<hbm>>
      %dma_start3A_21 = tpu.memref_slice %arg3[%add3A_12] : memref<160000xi32, #tpu.memory_space<hbm>> -> memref<1000xi32, #tpu.memory_space<hbm>>
      tpu.enqueue_dma source(%dma_start3A_21 : memref<1000xi32, #tpu.memory_space<hbm>>) target(%arg8 : memref<1000xi32, #tpu.memory_space<vmem>>) target_semaphore(%run_scoped3A : memref<!tpu.dma_semaphore, #tpu.memory_space<semaphore_mem>>)
      %dma_wait3A = tpu.memref_slice %arg3[%add3A_12] : memref<160000xi32, #tpu.memory_space<hbm>> -> memref<1000xi32, #tpu.memory_space<hbm>>
      %dma_wait3A_22 = tpu.memref_slice %arg3[%add3A_12] : memref<160000xi32, #tpu.memory_space<hbm>> -> memref<1000xi32, #tpu.memory_space<hbm>>
      tpu.wait_dma2 semaphore(%run_scoped3A : memref<!tpu.dma_semaphore, #tpu.memory_space<semaphore_mem>>) src(%dma_wait3A_22 : memref<1000xi32, #tpu.memory_space<hbm>>) dst(%arg8 : memref<1000xi32, #tpu.memory_space<vmem>>)
      tpu.yield
    }) : () -> ()
    "tpu.region"() ({
      %run_scoped3A = tpu.sem_alloc : memref<!tpu.dma_semaphore, #tpu.memory_space<semaphore_mem>>
      %dma_start3A = arith.constant 0 : i32
      %dma_start3A_21 = tpu.memref_slice %arg2[%add3A_12, %dma_start3A] : memref<160000x16xf32, #tpu.memory_space<hbm>> -> memref<1000x16xf32, #tpu.memory_space<hbm>>
      %dma_start3A_22 = arith.constant 0 : i32
      %dma_start3A_23 = tpu.memref_slice %arg2[%add3A_12, %dma_start3A_22] : memref<160000x16xf32, #tpu.memory_space<hbm>> -> memref<1000x16xf32, #tpu.memory_space<hbm>>
      tpu.enqueue_dma source(%dma_start3A_23 : memref<1000x16xf32, #tpu.memory_space<hbm>>) target(%arg9 : memref<1000x16xf32, #tpu.memory_space<vmem>>) target_semaphore(%run_scoped3A : memref<!tpu.dma_semaphore, #tpu.memory_space<semaphore_mem>>)
      %dma_wait3A = arith.constant 0 : i32
      %dma_wait3A_24 = tpu.memref_slice %arg2[%add3A_12, %dma_wait3A] : memref<160000x16xf32, #tpu.memory_space<hbm>> -> memref<1000x16xf32, #tpu.memory_space<hbm>>
      %dma_wait3A_25 = arith.constant 0 : i32
      %dma_wait3A_26 = tpu.memref_slice %arg2[%add3A_12, %dma_wait3A_25] : memref<160000x16xf32, #tpu.memory_space<hbm>> -> memref<1000x16xf32, #tpu.memory_space<hbm>>
      tpu.wait_dma2 semaphore(%run_scoped3A : memref<!tpu.dma_semaphore, #tpu.memory_space<semaphore_mem>>) src(%dma_wait3A_26 : memref<1000x16xf32, #tpu.memory_space<hbm>>) dst(%arg9 : memref<1000x16xf32, #tpu.memory_space<vmem>>)
      tpu.yield
    }) : () -> ()
    "tpu.region"() ({
      %run_scoped3A = tpu.sem_alloc : memref<!tpu.dma_semaphore, #tpu.memory_space<semaphore_mem>>
      %dma_start3A = arith.constant 0 : i32
      %dma_start3A_21 = arith.constant 0 : i32
      %dma_start3A_22 = tpu.memref_slice %arg11[%dma_start3A, %dma_start3A_21] : memref<10000x16xf32, #tpu.memory_space<vmem_shared>> -> memref<10000x16xf32, #tpu.memory_space<vmem_shared>>
      tpu.enqueue_indirect_dma source(%arg9 : memref<1000x16xf32, #tpu.memory_space<vmem>>) target(%dma_start3A_22 : memref<10000x16xf32, #tpu.memory_space<vmem_shared>>) offsets(%arg8 : memref<1000xi32, #tpu.memory_space<vmem>>) semaphore(%run_scoped3A : memref<!tpu.dma_semaphore, #tpu.memory_space<semaphore_mem>>) {add = true}
      %dma_wait3A = arith.constant 0 : i32
      %dma_wait3A_23 = arith.constant 0 : i32
      %dma_wait3A_24 = tpu.memref_slice %arg11[%dma_wait3A, %dma_wait3A_23] : memref<10000x16xf32, #tpu.memory_space<vmem_shared>> -> memref<10000x16xf32, #tpu.memory_space<vmem_shared>>
      tpu.wait_indirect_dma semaphore(%run_scoped3A : memref<!tpu.dma_semaphore, #tpu.memory_space<semaphore_mem>>) src(%arg9 : memref<1000x16xf32, #tpu.memory_space<vmem>>) dst(%dma_wait3A_24 : memref<10000x16xf32, #tpu.memory_space<vmem_shared>>)
      tpu.yield
    }) : () -> ()
    "tpu.region"() ({
      %run_scoped3A = tpu.sem_alloc : memref<!tpu.dma_semaphore, #tpu.memory_space<semaphore_mem>>
      %dma_start3A = arith.constant 0 : i32
      %dma_start3A_21 = arith.constant 0 : i32
      %dma_start3A_22 = tpu.memref_slice %arg12[%dma_start3A, %dma_start3A_21] : memref<10000x16xf32, #tpu.memory_space<vmem_shared>> -> memref<10000x16xf32, #tpu.memory_space<vmem_shared>>
      tpu.enqueue_indirect_dma source(%arg10 : memref<1000x16xf32, #tpu.memory_space<vmem>>) target(%dma_start3A_22 : memref<10000x16xf32, #tpu.memory_space<vmem_shared>>) offsets(%arg8 : memref<1000xi32, #tpu.memory_space<vmem>>) semaphore(%run_scoped3A : memref<!tpu.dma_semaphore, #tpu.memory_space<semaphore_mem>>) {add = true}
      %dma_wait3A = arith.constant 0 : i32
      %dma_wait3A_23 = arith.constant 0 : i32
      %dma_wait3A_24 = tpu.memref_slice %arg12[%dma_wait3A, %dma_wait3A_23] : memref<10000x16xf32, #tpu.memory_space<vmem_shared>> -> memref<10000x16xf32, #tpu.memory_space<vmem_shared>>
      tpu.wait_indirect_dma semaphore(%run_scoped3A : memref<!tpu.dma_semaphore, #tpu.memory_space<semaphore_mem>>) src(%arg10 : memref<1000x16xf32, #tpu.memory_space<vmem>>) dst(%dma_wait3A_24 : memref<10000x16xf32, #tpu.memory_space<vmem_shared>>)
      tpu.yield
    }) : () -> ()
    %add3A_13 = arith.constant 4000 : i32
    %add3A_14 = arith.addi %mul3A_4, %add3A_13 : i32
    "tpu.region"() ({
      %run_scoped3A = tpu.sem_alloc : memref<!tpu.dma_semaphore, #tpu.memory_space<semaphore_mem>>
      %dma_start3A = tpu.memref_slice %arg3[%add3A_14] : memref<160000xi32, #tpu.memory_space<hbm>> -> memref<1000xi32, #tpu.memory_space<hbm>>
      %dma_start3A_21 = tpu.memref_slice %arg3[%add3A_14] : memref<160000xi32, #tpu.memory_space<hbm>> -> memref<1000xi32, #tpu.memory_space<hbm>>
      tpu.enqueue_dma source(%dma_start3A_21 : memref<1000xi32, #tpu.memory_space<hbm>>) target(%arg8 : memref<1000xi32, #tpu.memory_space<vmem>>) target_semaphore(%run_scoped3A : memref<!tpu.dma_semaphore, #tpu.memory_space<semaphore_mem>>)
      %dma_wait3A = tpu.memref_slice %arg3[%add3A_14] : memref<160000xi32, #tpu.memory_space<hbm>> -> memref<1000xi32, #tpu.memory_space<hbm>>
      %dma_wait3A_22 = tpu.memref_slice %arg3[%add3A_14] : memref<160000xi32, #tpu.memory_space<hbm>> -> memref<1000xi32, #tpu.memory_space<hbm>>
      tpu.wait_dma2 semaphore(%run_scoped3A : memref<!tpu.dma_semaphore, #tpu.memory_space<semaphore_mem>>) src(%dma_wait3A_22 : memref<1000xi32, #tpu.memory_space<hbm>>) dst(%arg8 : memref<1000xi32, #tpu.memory_space<vmem>>)
      tpu.yield
    }) : () -> ()
    "tpu.region"() ({
      %run_scoped3A = tpu.sem_alloc : memref<!tpu.dma_semaphore, #tpu.memory_space<semaphore_mem>>
      %dma_start3A = arith.constant 0 : i32
      %dma_start3A_21 = tpu.memref_slice %arg2[%add3A_14, %dma_start3A] : memref<160000x16xf32, #tpu.memory_space<hbm>> -> memref<1000x16xf32, #tpu.memory_space<hbm>>
      %dma_start3A_22 = arith.constant 0 : i32
      %dma_start3A_23 = tpu.memref_slice %arg2[%add3A_14, %dma_start3A_22] : memref<160000x16xf32, #tpu.memory_space<hbm>> -> memref<1000x16xf32, #tpu.memory_space<hbm>>
      tpu.enqueue_dma source(%dma_start3A_23 : memref<1000x16xf32, #tpu.memory_space<hbm>>) target(%arg9 : memref<1000x16xf32, #tpu.memory_space<vmem>>) target_semaphore(%run_scoped3A : memref<!tpu.dma_semaphore, #tpu.memory_space<semaphore_mem>>)
      %dma_wait3A = arith.constant 0 : i32
      %dma_wait3A_24 = tpu.memref_slice %arg2[%add3A_14, %dma_wait3A] : memref<160000x16xf32, #tpu.memory_space<hbm>> -> memref<1000x16xf32, #tpu.memory_space<hbm>>
      %dma_wait3A_25 = arith.constant 0 : i32
      %dma_wait3A_26 = tpu.memref_slice %arg2[%add3A_14, %dma_wait3A_25] : memref<160000x16xf32, #tpu.memory_space<hbm>> -> memref<1000x16xf32, #tpu.memory_space<hbm>>
      tpu.wait_dma2 semaphore(%run_scoped3A : memref<!tpu.dma_semaphore, #tpu.memory_space<semaphore_mem>>) src(%dma_wait3A_26 : memref<1000x16xf32, #tpu.memory_space<hbm>>) dst(%arg9 : memref<1000x16xf32, #tpu.memory_space<vmem>>)
      tpu.yield
    }) : () -> ()
    "tpu.region"() ({
      %run_scoped3A = tpu.sem_alloc : memref<!tpu.dma_semaphore, #tpu.memory_space<semaphore_mem>>
      %dma_start3A = arith.constant 0 : i32
      %dma_start3A_21 = arith.constant 0 : i32
      %dma_start3A_22 = tpu.memref_slice %arg11[%dma_start3A, %dma_start3A_21] : memref<10000x16xf32, #tpu.memory_space<vmem_shared>> -> memref<10000x16xf32, #tpu.memory_space<vmem_shared>>
      tpu.enqueue_indirect_dma source(%arg9 : memref<1000x16xf32, #tpu.memory_space<vmem>>) target(%dma_start3A_22 : memref<10000x16xf32, #tpu.memory_space<vmem_shared>>) offsets(%arg8 : memref<1000xi32, #tpu.memory_space<vmem>>) semaphore(%run_scoped3A : memref<!tpu.dma_semaphore, #tpu.memory_space<semaphore_mem>>) {add = true}
      %dma_wait3A = arith.constant 0 : i32
      %dma_wait3A_23 = arith.constant 0 : i32
      %dma_wait3A_24 = tpu.memref_slice %arg11[%dma_wait3A, %dma_wait3A_23] : memref<10000x16xf32, #tpu.memory_space<vmem_shared>> -> memref<10000x16xf32, #tpu.memory_space<vmem_shared>>
      tpu.wait_indirect_dma semaphore(%run_scoped3A : memref<!tpu.dma_semaphore, #tpu.memory_space<semaphore_mem>>) src(%arg9 : memref<1000x16xf32, #tpu.memory_space<vmem>>) dst(%dma_wait3A_24 : memref<10000x16xf32, #tpu.memory_space<vmem_shared>>)
      tpu.yield
    }) : () -> ()
    "tpu.region"() ({
      %run_scoped3A = tpu.sem_alloc : memref<!tpu.dma_semaphore, #tpu.memory_space<semaphore_mem>>
      %dma_start3A = arith.constant 0 : i32
      %dma_start3A_21 = arith.constant 0 : i32
      %dma_start3A_22 = tpu.memref_slice %arg12[%dma_start3A, %dma_start3A_21] : memref<10000x16xf32, #tpu.memory_space<vmem_shared>> -> memref<10000x16xf32, #tpu.memory_space<vmem_shared>>
      tpu.enqueue_indirect_dma source(%arg10 : memref<1000x16xf32, #tpu.memory_space<vmem>>) target(%dma_start3A_22 : memref<10000x16xf32, #tpu.memory_space<vmem_shared>>) offsets(%arg8 : memref<1000xi32, #tpu.memory_space<vmem>>) semaphore(%run_scoped3A : memref<!tpu.dma_semaphore, #tpu.memory_space<semaphore_mem>>) {add = true}
      %dma_wait3A = arith.constant 0 : i32
      %dma_wait3A_23 = arith.constant 0 : i32
      %dma_wait3A_24 = tpu.memref_slice %arg12[%dma_wait3A, %dma_wait3A_23] : memref<10000x16xf32, #tpu.memory_space<vmem_shared>> -> memref<10000x16xf32, #tpu.memory_space<vmem_shared>>
      tpu.wait_indirect_dma semaphore(%run_scoped3A : memref<!tpu.dma_semaphore, #tpu.memory_space<semaphore_mem>>) src(%arg10 : memref<1000x16xf32, #tpu.memory_space<vmem>>) dst(%dma_wait3A_24 : memref<10000x16xf32, #tpu.memory_space<vmem_shared>>)
      tpu.yield
    }) : () -> ()
    %barrier3A_15 = arith.constant 0 : index
    tpu.barrier barrier_id(%barrier3A_15)
    %eq3A_16 = arith.constant 0 : i32
    %eq3A_17 = arith.cmpi eq, %arg1, %eq3A_16 : i32
    %convert_element_type3A_18 = arith.extui %eq3A_17 : i1 to i32
    %cond3A_19 = arith.constant 0 : i32
    %cond3A_20 = arith.cmpi ne, %convert_element_type3A_18, %cond3A_19 : i32
    scf.if %cond3A_20 {
      "tpu.region"() ({
        %run_scoped3A = tpu.sem_alloc : memref<!tpu.dma_semaphore, #tpu.memory_space<semaphore_mem>>
        %dma_start3A = arith.constant 0 : i32
        %dma_start3A_21 = arith.constant 0 : i32
        %dma_start3A_22 = tpu.memref_slice %arg6[%arg0, %dma_start3A, %dma_start3A_21] : memref<2x10000x16xf32, #tpu.memory_space<hbm>> -> memref<1x10000x16xf32, #tpu.memory_space<hbm>>
        %dma_start3A_23 = tpu.memref_squeeze %dma_start3A_22 : memref<1x10000x16xf32, #tpu.memory_space<hbm>> -> memref<10000x16xf32, #tpu.memory_space<hbm>>
        tpu.enqueue_dma source(%arg11 : memref<10000x16xf32, #tpu.memory_space<vmem_shared>>) target(%dma_start3A_23 : memref<10000x16xf32, #tpu.memory_space<hbm>>) target_semaphore(%run_scoped3A : memref<!tpu.dma_semaphore, #tpu.memory_space<semaphore_mem>>)
        %dma_wait3A = arith.constant 0 : i32
        %dma_wait3A_24 = arith.constant 0 : i32
        %dma_wait3A_25 = tpu.memref_slice %arg6[%arg0, %dma_wait3A, %dma_wait3A_24] : memref<2x10000x16xf32, #tpu.memory_space<hbm>> -> memref<1x10000x16xf32, #tpu.memory_space<hbm>>
        %dma_wait3A_26 = tpu.memref_squeeze %dma_wait3A_25 : memref<1x10000x16xf32, #tpu.memory_space<hbm>> -> memref<10000x16xf32, #tpu.memory_space<hbm>>
        tpu.wait_dma2 semaphore(%run_scoped3A : memref<!tpu.dma_semaphore, #tpu.memory_space<semaphore_mem>>) src(%arg11 : memref<10000x16xf32, #tpu.memory_space<vmem_shared>>) dst(%dma_wait3A_26 : memref<10000x16xf32, #tpu.memory_space<hbm>>)
        tpu.yield
      }) : () -> ()
      "tpu.region"() ({
        %run_scoped3A = tpu.sem_alloc : memref<!tpu.dma_semaphore, #tpu.memory_space<semaphore_mem>>
        %dma_start3A = arith.constant 0 : i32
        %dma_start3A_21 = arith.constant 0 : i32
        %dma_start3A_22 = tpu.memref_slice %arg7[%arg0, %dma_start3A, %dma_start3A_21] : memref<2x10000x16xf32, #tpu.memory_space<hbm>> -> memref<1x10000x16xf32, #tpu.memory_space<hbm>>
        %dma_start3A_23 = tpu.memref_squeeze %dma_start3A_22 : memref<1x10000x16xf32, #tpu.memory_space<hbm>> -> memref<10000x16xf32, #tpu.memory_space<hbm>>
        tpu.enqueue_dma source(%arg12 : memref<10000x16xf32, #tpu.memory_space<vmem_shared>>) target(%dma_start3A_23 : memref<10000x16xf32, #tpu.memory_space<hbm>>) target_semaphore(%run_scoped3A : memref<!tpu.dma_semaphore, #tpu.memory_space<semaphore_mem>>)
        %dma_wait3A = arith.constant 0 : i32
        %dma_wait3A_24 = arith.constant 0 : i32
        %dma_wait3A_25 = tpu.memref_slice %arg7[%arg0, %dma_wait3A, %dma_wait3A_24] : memref<2x10000x16xf32, #tpu.memory_space<hbm>> -> memref<1x10000x16xf32, #tpu.memory_space<hbm>>
        %dma_wait3A_26 = tpu.memref_squeeze %dma_wait3A_25 : memref<1x10000x16xf32, #tpu.memory_space<hbm>> -> memref<10000x16xf32, #tpu.memory_space<hbm>>
        tpu.wait_dma2 semaphore(%run_scoped3A : memref<!tpu.dma_semaphore, #tpu.memory_space<semaphore_mem>>) src(%arg12 : memref<10000x16xf32, #tpu.memory_space<vmem_shared>>) dst(%dma_wait3A_26 : memref<10000x16xf32, #tpu.memory_space<hbm>>)
        tpu.yield
      }) : () -> ()
    } else {
    }
    return
  }
}

#map = affine_map<(d0, d1) -> (0, 0)>
#map1 = affine_map<(d0, d1) -> (0)>
module attributes {stable_mosaic.version = 14 : i64} {
  func.func @gather_k(%arg0: i32, %arg1: i32, %arg2: memref<10000x16xf32, #tpu.memory_space<hbm>>, %arg3: memref<160000xi32, #tpu.memory_space<hbm>>, %arg4: memref<160000x16xf32, #tpu.memory_space<hbm>>, %arg5: memref<5000xi32, #tpu.memory_space<vmem>>, %arg6: memref<5000x16xf32, #tpu.memory_space<vmem>>, %arg7: memref<!tpu.dma_semaphore, #tpu.memory_space<semaphore_mem>>) attributes {dimension_semantics = [#tpu.dimension_semantics<core_parallel>, #tpu.dimension_semantics<subcore_parallel>], iteration_bounds = array<i64: 2, 16>, scalar_prefetch = 0 : i64, scratch_operands = 3 : i64, tpu.core_type = #tpu.core_type<sc_vector_subcore>, window_params = [{transform_indices = #map}, {transform_indices = #map1}, {transform_indices = #map}]} {
    %mul3A = arith.constant 2 : i32
    %mul3A_0 = arith.muli %arg1, %mul3A : i32
    %add3A = arith.addi %mul3A_0, %arg0 : i32
    %mul3A_1 = arith.constant 5000 : i32
    %mul3A_2 = arith.muli %add3A, %mul3A_1 : i32
    "tpu.region"() ({
      %run_scoped3A = tpu.sem_alloc : memref<!tpu.dma_semaphore, #tpu.memory_space<semaphore_mem>>
      %dma_start3A_7 = tpu.memref_slice %arg3[%mul3A_2] : memref<160000xi32, #tpu.memory_space<hbm>> -> memref<5000xi32, #tpu.memory_space<hbm>>
      %dma_start3A_8 = tpu.memref_slice %arg3[%mul3A_2] : memref<160000xi32, #tpu.memory_space<hbm>> -> memref<5000xi32, #tpu.memory_space<hbm>>
      tpu.enqueue_dma source(%dma_start3A_8 : memref<5000xi32, #tpu.memory_space<hbm>>) target(%arg5 : memref<5000xi32, #tpu.memory_space<vmem>>) target_semaphore(%run_scoped3A : memref<!tpu.dma_semaphore, #tpu.memory_space<semaphore_mem>>)
      %dma_wait3A_9 = tpu.memref_slice %arg3[%mul3A_2] : memref<160000xi32, #tpu.memory_space<hbm>> -> memref<5000xi32, #tpu.memory_space<hbm>>
      %dma_wait3A_10 = tpu.memref_slice %arg3[%mul3A_2] : memref<160000xi32, #tpu.memory_space<hbm>> -> memref<5000xi32, #tpu.memory_space<hbm>>
      tpu.wait_dma2 semaphore(%run_scoped3A : memref<!tpu.dma_semaphore, #tpu.memory_space<semaphore_mem>>) src(%dma_wait3A_10 : memref<5000xi32, #tpu.memory_space<hbm>>) dst(%arg5 : memref<5000xi32, #tpu.memory_space<vmem>>)
      tpu.yield
    }) : () -> ()
    %dma_start3A = arith.constant 0 : i32
    %dma_start3A_3 = arith.constant 0 : i32
    %dma_start3A_4 = tpu.memref_slice %arg2[%dma_start3A, %dma_start3A_3] : memref<10000x16xf32, #tpu.memory_space<hbm>> -> memref<10000x16xf32, #tpu.memory_space<hbm>>
    tpu.enqueue_indirect_dma source(%dma_start3A_4 : memref<10000x16xf32, #tpu.memory_space<hbm>>) target(%arg6 : memref<5000x16xf32, #tpu.memory_space<vmem>>) offsets(%arg5 : memref<5000xi32, #tpu.memory_space<vmem>>) semaphore(%arg7 : memref<!tpu.dma_semaphore, #tpu.memory_space<semaphore_mem>>)
    %dma_wait3A = arith.constant 0 : i32
    %dma_wait3A_5 = arith.constant 0 : i32
    %dma_wait3A_6 = tpu.memref_slice %arg2[%dma_wait3A, %dma_wait3A_5] : memref<10000x16xf32, #tpu.memory_space<hbm>> -> memref<10000x16xf32, #tpu.memory_space<hbm>>
    tpu.wait_indirect_dma semaphore(%arg7 : memref<!tpu.dma_semaphore, #tpu.memory_space<semaphore_mem>>) src(%dma_wait3A_6 : memref<10000x16xf32, #tpu.memory_space<hbm>>) dst(%arg6 : memref<5000x16xf32, #tpu.memory_space<vmem>>)
    "tpu.region"() ({
      %run_scoped3A = tpu.sem_alloc : memref<!tpu.dma_semaphore, #tpu.memory_space<semaphore_mem>>
      %dma_start3A_7 = arith.constant 0 : i32
      %dma_start3A_8 = tpu.memref_slice %arg4[%mul3A_2, %dma_start3A_7] : memref<160000x16xf32, #tpu.memory_space<hbm>> -> memref<5000x16xf32, #tpu.memory_space<hbm>>
      %dma_start3A_9 = arith.constant 0 : i32
      %dma_start3A_10 = tpu.memref_slice %arg4[%mul3A_2, %dma_start3A_9] : memref<160000x16xf32, #tpu.memory_space<hbm>> -> memref<5000x16xf32, #tpu.memory_space<hbm>>
      tpu.enqueue_dma source(%arg6 : memref<5000x16xf32, #tpu.memory_space<vmem>>) target(%dma_start3A_10 : memref<5000x16xf32, #tpu.memory_space<hbm>>) target_semaphore(%run_scoped3A : memref<!tpu.dma_semaphore, #tpu.memory_space<semaphore_mem>>)
      %dma_wait3A_11 = arith.constant 0 : i32
      %dma_wait3A_12 = tpu.memref_slice %arg4[%mul3A_2, %dma_wait3A_11] : memref<160000x16xf32, #tpu.memory_space<hbm>> -> memref<5000x16xf32, #tpu.memory_space<hbm>>
      %dma_wait3A_13 = arith.constant 0 : i32
      %dma_wait3A_14 = tpu.memref_slice %arg4[%mul3A_2, %dma_wait3A_13] : memref<160000x16xf32, #tpu.memory_space<hbm>> -> memref<5000x16xf32, #tpu.memory_space<hbm>>
      tpu.wait_dma2 semaphore(%run_scoped3A : memref<!tpu.dma_semaphore, #tpu.memory_space<semaphore_mem>>) src(%arg6 : memref<5000x16xf32, #tpu.memory_space<vmem>>) dst(%dma_wait3A_14 : memref<5000x16xf32, #tpu.memory_space<hbm>>)
      tpu.yield
    }) : () -> ()
    return
  }
}

module attributes {stable_mosaic.version = 14 : i64} {
  func.func @_tc_compute_body(%arg0: i32, %arg1: memref<64x3200xf32, #tpu.memory_space<vmem>>, %arg2: memref<16x3200xbf16, #tpu.memory_space<vmem>>, %arg3: memref<4x3200xf32, #tpu.memory_space<vmem>>, %arg4: memref<64x64xbf16, #tpu.memory_space<vmem>>, %arg5: memref<1x64xf32, #tpu.memory_space<vmem>>, %arg6: memref<64x512xbf16, #tpu.memory_space<vmem>>, %arg7: memref<1x512xf32, #tpu.memory_space<vmem>>, %arg8: memref<16x512xbf16, #tpu.memory_space<vmem>>, %arg9: memref<4x512xbf16, #tpu.memory_space<vmem>>, %arg10: memref<512x16xbf16, #tpu.memory_space<vmem>>, %arg11: memref<16x3200xf32, #tpu.memory_space<vmem>>) attributes {dimension_semantics = [#tpu.dimension_semantics<arbitrary>], iteration_bounds = array<i64: 50>, scalar_prefetch = 0 : i64, scratch_operands = 0 : i64, tpu.core_type = #tpu.core_type<tc>, window_params = [{transform_indices = @transform_0, window_bounds = array<i64: 64, 3200>}, {transform_indices = @transform_1, window_bounds = array<i64: 16, 3200>}, {transform_indices = @transform_2, window_bounds = array<i64: 4, 3200>}, {pipeline_mode = #tpu.pipeline_mode<synchronous>, transform_indices = @transform_3, window_bounds = array<i64: 64, 64>}, {pipeline_mode = #tpu.pipeline_mode<synchronous>, transform_indices = @transform_4, window_bounds = array<i64: 1, 64>}, {pipeline_mode = #tpu.pipeline_mode<synchronous>, transform_indices = @transform_5, window_bounds = array<i64: 64, 512>}, {pipeline_mode = #tpu.pipeline_mode<synchronous>, transform_indices = @transform_6, window_bounds = array<i64: 1, 512>}, {pipeline_mode = #tpu.pipeline_mode<synchronous>, transform_indices = @transform_7, window_bounds = array<i64: 16, 512>}, {pipeline_mode = #tpu.pipeline_mode<synchronous>, transform_indices = @transform_8, window_bounds = array<i64: 4, 512>}, {pipeline_mode = #tpu.pipeline_mode<synchronous>, transform_indices = @transform_9, window_bounds = array<i64: 512, 16>}, {transform_indices = @transform_10, window_bounds = array<i64: 16, 3200>}]} {
    %get3A = arith.constant 0 : index
    %get3A_0 = arith.constant 0 : index
    %get3A_1 = vector.load %arg1[%get3A, %get3A_0] : memref<64x3200xf32, #tpu.memory_space<vmem>>, vector<64x3200xf32>
    %convert_element_type3A = arith.truncf %get3A_1 : vector<64x3200xf32> to vector<64x3200xbf16>
    %get3A_2 = arith.constant 0 : index
    %get3A_3 = arith.constant 0 : index
    %get3A_4 = vector.load %arg4[%get3A_2, %get3A_3] : memref<64x64xbf16, #tpu.memory_space<vmem>>, vector<64x64xbf16>
    %dot_general3A = arith.constant dense<0.000000e+00> : vector<3200x64xf32>
    %dot_general3A_5 = tpu.matmul %convert_element_type3A, %get3A_4, %dot_general3A {dimension_numbers = #tpu.dot_dimension_numbers<[0], [0], [1], [1], [0, 1, 1, 1], [], []>, transpose_lhs_hint = false} : vector<64x3200xbf16>, vector<64x64xbf16>, vector<3200x64xf32> -> vector<3200x64xf32>
    %get3A_6 = arith.constant 0 : index
    %get3A_7 = arith.constant 0 : index
    %get3A_8 = vector.load %arg5[%get3A_6, %get3A_7] : memref<1x64xf32, #tpu.memory_space<vmem>>, vector<1x64xf32>
    %add3A = vector.broadcast %get3A_8 : vector<1x64xf32> to vector<3200x64xf32>
    %add3A_9 = arith.addf %dot_general3A_5, %add3A : vector<3200x64xf32>
    %max3A = arith.constant 0.000000e+00 : f32
    %max3A_10 = vector.broadcast %max3A : f32 to vector<3200x64xf32>
    %max3A_11 = arith.maximumf %add3A_9, %max3A_10 : vector<3200x64xf32>
    %convert_element_type3A_12 = arith.truncf %max3A_11 : vector<3200x64xf32> to vector<3200x64xbf16>
    %get3A_13 = arith.constant 0 : index
    %get3A_14 = arith.constant 0 : index
    %get3A_15 = vector.load %arg6[%get3A_13, %get3A_14] : memref<64x512xbf16, #tpu.memory_space<vmem>>, vector<64x512xbf16>
    %dot_general3A_16 = arith.constant dense<0.000000e+00> : vector<3200x512xf32>
    %dot_general3A_17 = tpu.matmul %convert_element_type3A_12, %get3A_15, %dot_general3A_16 {dimension_numbers = #tpu.dot_dimension_numbers<[1], [0], [0], [1], [0, 0, 1, 1], [], []>, transpose_lhs_hint = false} : vector<3200x64xbf16>, vector<64x512xbf16>, vector<3200x512xf32> -> vector<3200x512xf32>
    %get3A_18 = arith.constant 0 : index
    %get3A_19 = arith.constant 0 : index
    %get3A_20 = vector.load %arg7[%get3A_18, %get3A_19] : memref<1x512xf32, #tpu.memory_space<vmem>>, vector<1x512xf32>
    %add3A_21 = vector.broadcast %get3A_20 : vector<1x512xf32> to vector<3200x512xf32>
    %add3A_22 = arith.addf %dot_general3A_17, %add3A_21 : vector<3200x512xf32>
    %get3A_23 = arith.constant 0 : index
    %get3A_24 = arith.constant 0 : index
    %get3A_25 = vector.load %arg2[%get3A_23, %get3A_24] : memref<16x3200xbf16, #tpu.memory_space<vmem>>, vector<16x3200xbf16>
    %get3A_26 = arith.constant 0 : index
    %get3A_27 = arith.constant 0 : index
    %get3A_28 = vector.load %arg8[%get3A_26, %get3A_27] : memref<16x512xbf16, #tpu.memory_space<vmem>>, vector<16x512xbf16>
    %dot_general3A_29 = arith.constant dense<0.000000e+00> : vector<3200x512xf32>
    %dot_general3A_30 = tpu.matmul %get3A_25, %get3A_28, %dot_general3A_29 {dimension_numbers = #tpu.dot_dimension_numbers<[0], [0], [1], [1], [0, 1, 1, 1], [], []>, transpose_lhs_hint = false} : vector<16x3200xbf16>, vector<16x512xbf16>, vector<3200x512xf32> -> vector<3200x512xf32>
    %get3A_31 = arith.constant 0 : index
    %get3A_32 = arith.constant 0 : index
    %get3A_33 = vector.load %arg3[%get3A_31, %get3A_32] : memref<4x3200xf32, #tpu.memory_space<vmem>>, vector<4x3200xf32>
    %convert_element_type3A_34 = arith.truncf %get3A_33 : vector<4x3200xf32> to vector<4x3200xbf16>
    %get3A_35 = arith.constant 0 : index
    %get3A_36 = arith.constant 0 : index
    %get3A_37 = vector.load %arg9[%get3A_35, %get3A_36] : memref<4x512xbf16, #tpu.memory_space<vmem>>, vector<4x512xbf16>
    %dot_general3A_38 = arith.constant dense<0.000000e+00> : vector<3200x512xf32>
    %dot_general3A_39 = tpu.matmul %convert_element_type3A_34, %get3A_37, %dot_general3A_38 {dimension_numbers = #tpu.dot_dimension_numbers<[0], [0], [1], [1], [0, 1, 1, 1], [], []>, transpose_lhs_hint = false} : vector<4x3200xbf16>, vector<4x512xbf16>, vector<3200x512xf32> -> vector<3200x512xf32>
    %mul3A = arith.mulf %dot_general3A_30, %dot_general3A_39 : vector<3200x512xf32>
    %mul3A_40 = arith.mulf %add3A_22, %mul3A : vector<3200x512xf32>
    %convert_element_type3A_41 = arith.truncf %mul3A_40 : vector<3200x512xf32> to vector<3200x512xbf16>
    %get3A_42 = arith.constant 0 : index
    %get3A_43 = arith.constant 0 : index
    %get3A_44 = vector.load %arg10[%get3A_42, %get3A_43] : memref<512x16xbf16, #tpu.memory_space<vmem>>, vector<512x16xbf16>
    %dot_general3A_45 = arith.constant dense<0.000000e+00> : vector<16x3200xf32>
    %dot_general3A_46 = tpu.matmul %get3A_44, %convert_element_type3A_41, %dot_general3A_45 {dimension_numbers = #tpu.dot_dimension_numbers<[0], [1], [1], [0], [0, 1, 1, 0], [], []>, transpose_lhs_hint = false} : vector<512x16xbf16>, vector<3200x512xbf16>, vector<16x3200xf32> -> vector<16x3200xf32>
    %swap3A = arith.constant 0 : index
    %swap3A_47 = arith.constant 0 : index
    %swap3A_48 = vector.load %arg11[%swap3A, %swap3A_47] : memref<16x3200xf32, #tpu.memory_space<vmem>>, vector<16x3200xf32>
    tpu.vector_store %arg11[%swap3A, %swap3A_47], %dot_general3A_46 {strides = array<i32>} : memref<16x3200xf32, #tpu.memory_space<vmem>>, vector<16x3200xf32>,
    return
  }
  func.func @transform_0(%arg0: i32) -> (i32, i32) {
    %c0_i32 = arith.constant 0 : i32
    %c0_i32_0 = arith.constant 0 : i32
    return %c0_i32, %arg0 : i32, i32
  }
  func.func @transform_1(%arg0: i32) -> (i32, i32) {
    %c0_i32 = arith.constant 0 : i32
    %c0_i32_0 = arith.constant 0 : i32
    return %c0_i32, %arg0 : i32, i32
  }
  func.func @transform_2(%arg0: i32) -> (i32, i32) {
    %c0_i32 = arith.constant 0 : i32
    %c0_i32_0 = arith.constant 0 : i32
    return %c0_i32, %arg0 : i32, i32
  }
  func.func @transform_3(%arg0: i32) -> (i32, i32) {
    %c0_i32 = arith.constant 0 : i32
    %c0_i32_0 = arith.constant 0 : i32
    %c0_i32_1 = arith.constant 0 : i32
    return %c0_i32, %c0_i32_0 : i32, i32
  }
  func.func @transform_4(%arg0: i32) -> (i32, i32) {
    %c0_i32 = arith.constant 0 : i32
    %c0_i32_0 = arith.constant 0 : i32
    %c0_i32_1 = arith.constant 0 : i32
    return %c0_i32, %c0_i32_0 : i32, i32
  }
  func.func @transform_5(%arg0: i32) -> (i32, i32) {
    %c0_i32 = arith.constant 0 : i32
    %c0_i32_0 = arith.constant 0 : i32
    %c0_i32_1 = arith.constant 0 : i32
    return %c0_i32, %c0_i32_0 : i32, i32
  }
  func.func @transform_6(%arg0: i32) -> (i32, i32) {
    %c0_i32 = arith.constant 0 : i32
    %c0_i32_0 = arith.constant 0 : i32
    %c0_i32_1 = arith.constant 0 : i32
    return %c0_i32, %c0_i32_0 : i32, i32
  }
  func.func @transform_7(%arg0: i32) -> (i32, i32) {
    %c0_i32 = arith.constant 0 : i32
    %c0_i32_0 = arith.constant 0 : i32
    %c0_i32_1 = arith.constant 0 : i32
    return %c0_i32, %c0_i32_0 : i32, i32
  }
  func.func @transform_8(%arg0: i32) -> (i32, i32) {
    %c0_i32 = arith.constant 0 : i32
    %c0_i32_0 = arith.constant 0 : i32
    %c0_i32_1 = arith.constant 0 : i32
    return %c0_i32, %c0_i32_0 : i32, i32
  }
  func.func @transform_9(%arg0: i32) -> (i32, i32) {
    %c0_i32 = arith.constant 0 : i32
    %c0_i32_0 = arith.constant 0 : i32
    %c0_i32_1 = arith.constant 0 : i32
    return %c0_i32, %c0_i32_0 : i32, i32
  }
  func.func @transform_10(%arg0: i32) -> (i32, i32) {
    %c0_i32 = arith.constant 0 : i32
    %c0_i32_0 = arith.constant 0 : i32
    return %c0_i32, %arg0 : i32, i32
  }
}

module attributes {stable_mosaic.version = 14 : i64} {
  func.func @_tc_finalize_body(%arg0: memref<16x20000xf32, #tpu.memory_space<vmem>>, %arg1: memref<16x20000xf32, #tpu.memory_space<vmem>>, %arg2: memref<16x10000xf32, #tpu.memory_space<vmem>>, %arg3: memref<16x1xf32, #tpu.memory_space<vmem>>, %arg4: memref<16x1xf32, #tpu.memory_space<vmem>>, %arg5: memref<16x10000xf32, #tpu.memory_space<vmem>>) attributes {dimension_semantics = [], scalar_prefetch = 0 : i64, scratch_operands = 0 : i64, tpu.core_type = #tpu.core_type<tc>} {
    %get3A = arith.constant 0 : index
    %get3A_0 = arith.constant 0 : index
    %get3A_1 = vector.load %arg0[%get3A, %get3A_0] : memref<16x20000xf32, #tpu.memory_space<vmem>>, vector<16x10000xf32>
    %get3A_2 = arith.constant 0 : index
    %get3A_3 = arith.constant 10000 : index
    %get3A_4 = vector.load %arg0[%get3A_2, %get3A_3] : memref<16x20000xf32, #tpu.memory_space<vmem>>, vector<16x10000xf32>
    %add3A = arith.addf %get3A_1, %get3A_4 : vector<16x10000xf32>
    %get3A_5 = arith.constant 0 : index
    %get3A_6 = arith.constant 0 : index
    %get3A_7 = vector.load %arg1[%get3A_5, %get3A_6] : memref<16x20000xf32, #tpu.memory_space<vmem>>, vector<16x10000xf32>
    %get3A_8 = arith.constant 0 : index
    %get3A_9 = arith.constant 10000 : index
    %get3A_10 = vector.load %arg1[%get3A_8, %get3A_9] : memref<16x20000xf32, #tpu.memory_space<vmem>>, vector<16x10000xf32>
    %add3A_11 = arith.addf %get3A_7, %get3A_10 : vector<16x10000xf32>
    %max3A = arith.constant 1.000000e+00 : f32
    %max3A_12 = vector.broadcast %max3A : f32 to vector<16x10000xf32>
    %max3A_13 = arith.maximumf %add3A_11, %max3A_12 : vector<16x10000xf32>
    %div3A = arith.divf %add3A, %max3A_13 : vector<16x10000xf32>
    %get3A_14 = arith.constant 0 : index
    %get3A_15 = arith.constant 0 : index
    %get3A_16 = vector.load %arg2[%get3A_14, %get3A_15] : memref<16x10000xf32, #tpu.memory_space<vmem>>, vector<16x10000xf32>
    %add3A_17 = arith.addf %div3A, %get3A_16 : vector<16x10000xf32>
    %reduce_sum3A = arith.constant dense<0.000000e+00> : vector<16xf32>
    %reduce_sum3A_18 = vector.multi_reduction <add>, %add3A_17, %reduce_sum3A [1] : vector<16x10000xf32> to vector<16xf32>
    %broadcast_in_dim3A = vector.shape_cast %reduce_sum3A_18 : vector<16xf32> to vector<16x1xf32>
    %div3A_19 = arith.constant 1.000000e+04 : f32
    %div3A_20 = vector.broadcast %div3A_19 : f32 to vector<16x1xf32>
    %div3A_21 = arith.divf %broadcast_in_dim3A, %div3A_20 : vector<16x1xf32>
    %sub3A = vector.broadcast %div3A_21 : vector<16x1xf32> to vector<16x10000xf32>
    %sub3A_22 = arith.subf %add3A_17, %sub3A : vector<16x10000xf32>
    %integer_pow3A = arith.mulf %sub3A_22, %sub3A_22 : vector<16x10000xf32>
    %reduce_sum3A_23 = arith.constant dense<0.000000e+00> : vector<16xf32>
    %reduce_sum3A_24 = vector.multi_reduction <add>, %integer_pow3A, %reduce_sum3A_23 [1] : vector<16x10000xf32> to vector<16xf32>
    %broadcast_in_dim3A_25 = vector.shape_cast %reduce_sum3A_24 : vector<16xf32> to vector<16x1xf32>
    %div3A_26 = arith.constant 1.000000e+04 : f32
    %div3A_27 = vector.broadcast %div3A_26 : f32 to vector<16x1xf32>
    %div3A_28 = arith.divf %broadcast_in_dim3A_25, %div3A_27 : vector<16x1xf32>
    %sub3A_29 = vector.broadcast %div3A_21 : vector<16x1xf32> to vector<16x10000xf32>
    %sub3A_30 = arith.subf %add3A_17, %sub3A_29 : vector<16x10000xf32>
    %add3A_31 = arith.constant 9.99999974E-6 : f32
    %add3A_32 = vector.broadcast %add3A_31 : f32 to vector<16x1xf32>
    %add3A_33 = arith.addf %div3A_28, %add3A_32 : vector<16x1xf32>
    %rsqrt3A = math.rsqrt %add3A_33 : vector<16x1xf32>
    %mul3A = vector.broadcast %rsqrt3A : vector<16x1xf32> to vector<16x10000xf32>
    %mul3A_34 = arith.mulf %sub3A_30, %mul3A : vector<16x10000xf32>
    %get3A_35 = arith.constant 0 : index
    %get3A_36 = arith.constant 0 : index
    %get3A_37 = vector.load %arg3[%get3A_35, %get3A_36] : memref<16x1xf32, #tpu.memory_space<vmem>>, vector<16x1xf32>
    %mul3A_38 = vector.broadcast %get3A_37 : vector<16x1xf32> to vector<16x10000xf32>
    %mul3A_39 = arith.mulf %mul3A_34, %mul3A_38 : vector<16x10000xf32>
    %get3A_40 = arith.constant 0 : index
    %get3A_41 = arith.constant 0 : index
    %get3A_42 = vector.load %arg4[%get3A_40, %get3A_41] : memref<16x1xf32, #tpu.memory_space<vmem>>, vector<16x1xf32>
    %add3A_43 = vector.broadcast %get3A_42 : vector<16x1xf32> to vector<16x10000xf32>
    %add3A_44 = arith.addf %mul3A_39, %add3A_43 : vector<16x10000xf32>
    %swap3A = arith.constant 0 : index
    %swap3A_45 = arith.constant 0 : index
    %swap3A_46 = vector.load %arg5[%swap3A, %swap3A_45] : memref<16x10000xf32, #tpu.memory_space<vmem>>, vector<16x10000xf32>
    tpu.vector_store %arg5[%swap3A, %swap3A_45], %add3A_44 {strides = array<i32>} : memref<16x10000xf32, #tpu.memory_space<vmem>>, vector<16x10000xf32>,
    return
  }
}

</mosaic_0001>

<sc_bundles>
// kernel: kernel.6.cloned.1.call-start
scs
__scs_entry_jumppad:
0x0: {  	(pc) =	sbr.rel $0x88, $3  }
0x1: {  	(tag) =	ssettag $0x0;
	lr =	simm.s32 $0x1  }
0x2: {  	[smem:$0x3F97] =	sst lr;
	_ =	strace $0xD0000000  }
0x3: {  	_ = 	snop  }
0x4: {  	_ = 	snop  }
0x5: {  	_ = 	snop  }
0x6: {  	_ = 	snop  }
0x7: {  	_ = 	snop  }
__scs_overlays_trampoline_lowered:
0x8: {  	[smem:$0x3FA6] =	sst s0  }
0x9: {  	[smem:$0x3FA7] =	sst s1  }
0xa: {  	[smem:$0x3FA8] =	sst s2  }
0xb: {  	[smem:$0x3FA9] =	sst s3  }
0xc: {  	[smem:$0x3FAA] =	sst s4  }
0xd: {  	[smem:$0x3FAB] =	sst s5  }
0xe: {  	[smem:$0x3FAC] =	sst s6  }
0xf: {  	[smem:$0x3FAD] =	sst s7  }
0x10: {  	[smem:$0x3FAE] =	sst s8  }
0x11: {  	[smem:$0x3FAF] =	sst s9;
	s0 =	simm.s32 @!p0 $0x0  }
0x12: {  	s1 =	sld [smem:$0x3F95];
	s0 =	simm.s32 @p0 $0x1  }
0x13: {  	[smem:$0x3FB0] =	sst s0;
	s0 =	simm.s32 @!p1 $0x0  }
0x14: {  	s2 =	sld [smem:$0x3F94];
	s0 =	simm.s32 @p1 $0x1  }
0x15: {  	[smem:$0x3FB1] =	sst s0;
	s0 =	simm.s32 @!p2 $0x0  }
0x16: {  	s3 =	sld [smem:$0x3FDB];
	s0 =	simm.s32 @p2 $0x1  }
0x17: {  	s4 =	simm.s32 $0x1BF5;
	[smem:$0x3FB3] =	sst s0  }
0x18: {  	s0 =	sld [smem:$0x3F96];
	_ =	swait.ge [sflag:s4], $0x0  }
0x19: {  	s7 =	sld [smem:$0x3F97]  }
0x1a: {  	s8 =	sadd.s32 $0xFFFFE003, lr  }
0x1b: {  	s9 =	sadd.s32 $0xFFFFFEF7, lr;
	s5 =	simm.s32 $0xFFFFFFFF;
	p2 =	slt.u32 s8, $0xFFFFF086  }
0x1c: {  	p1 =	slt.u32 s9, $0xF7A;
	s5 =	simm.s32 @!p2 $0x0  }
0x1d: {  	s5 =	simm.s32 @p1 $0x1;
	p0 =	seq.s32 s7, s2  }
0x1e: {  	s7 =	smul.u32 @!p0 $0xF7A, s2;
	p2 =	seq.s32 @!p0 s5, $0x0  }
0x1f: {  	s9 =	smul.u32 $0xF7A, s1;
	s8 =	simm.s32 @!p0 $0x1BF5;
	p2 =	por !p2, p0  }
0x20: {  	[sflag:s8] =	ssyncset.s32 @!p0 $0xFFFFF086;
	s6 =	sadd.s32 @!p0 s3, s7;
	s7 =	simm.s32 @!p0 $0x108  }
0x21: {  	s3 =	sadd.s32 s3, s9;
	s6 =	sadd.s32 @!p0 $0x88, s6;
	s7 =	simm.s32 @p2 $0x1082  }
0x22: {  	[simem:s7], [sflag:s8] =	dma.local @!p0 [hbm:s6], $0xF7A  }
0x23: {  	s9 =	sor.u32 $0xD0000000, s2;
	s6 =	simm.s32 $0x108;
	_ =	swait.ge @!p0 [sflag:s8], $0x0  }
0x24: {  	s3 =	sadd.s32 $0x88, s3;
	s6 =	simm.s32 @!p1 $0x1082;
	[sflag:s4] =	ssyncset.s32 $0xFFFFF086  }
0x25: {  	[simem:s6], [sflag:s4] =	dma.local [hbm:s3], $0xF7A  }
0x26: {  	[smem:$0x3F97] =	sst s1;
	(tag) =	ssettag s2;
	_ =	strace s9  }
0x27: {  	s1 =	sld [smem:$0x3FA7]  }
0x28: {  	s2 =	sld [smem:$0x3FA8]  }
0x29: {  	s4 =	sld [smem:$0x3FAA]  }
0x2a: {  	p0 =	seq.s32 s5, $0x0;
	s5 =	sld [smem:$0x3FAB]  }
0x2b: {  	s6 =	sld [smem:$0x3FAC]  }
0x2c: {  	s7 =	sld [smem:$0x3FAD]  }
0x2d: {  	s3 =	simm.s32 $0x108;
	s8 =	sld [smem:$0x3FAE]  }
0x2e: {  	s3 =	simm.s32 @!p0 $0x1082;
	s9 =	sld [smem:$0x3FAF]  }
0x2f: {  	lr =	sadd.s32 s0, s3;
	s0 =	sld [smem:$0x3FA6]  }
0x30: {  	s3 =	sld [smem:$0x3FA9]  }
0x31: {  	[smem:$0x3FB2] =	sst s10  }
0x32: {  	s10 =	sld [smem:$0x3FB0];
	_ =	sdelay $0x3  }
0x33: {  	p0 =	seq.s32 s10, $0x1;
	s10 =	sld [smem:$0x3FB2];
	_ =	sdelay $0x3  }
0x34: {  	[smem:$0x3FB2] =	sst s10  }
0x35: {  	s10 =	sld [smem:$0x3FB1];
	_ =	sdelay $0x3  }
0x36: {  	p1 =	seq.s32 s10, $0x1;
	s10 =	sld [smem:$0x3FB2];
	_ =	sdelay $0x3  }
0x37: {  	[smem:$0x3FB2] =	sst s10  }
0x38: {  	s10 =	sld [smem:$0x3FB3]  }
0x39: {  	_ = 	snop;
	(pc) =	sbr.ind lr, $3  }
0x3a: {  	_ = 	snop  }
0x3b: {  	_ = 	snop  }
0x3c: {  	p2 =	seq.s32 s10, $0x1;
	s10 =	sld [smem:$0x3FB2]  }
0x3d: {  	_ =	shalt  }
0x3e: {  	_ =	shalt  }
0x3f: {  	_ =	shalt  }
0x40: {  	_ =	shalt  }
0x41: {  	_ =	shalt  }
0x42: {  	_ =	shalt  }
0x43: {  	_ =	shalt  }
0x44: {  	_ =	shalt  }
0x45: {  	_ =	shalt  }
0x46: {  	_ =	shalt  }
0x47: {  	_ =	shalt  }
0x48: {  	_ =	shalt  }
0x49: {  	_ =	shalt  }
0x4a: {  	_ =	shalt  }
0x4b: {  	_ =	shalt  }
0x4c: {  	_ =	shalt  }
0x4d: {  	_ =	shalt  }
0x4e: {  	_ =	shalt  }
0x4f: {  	_ =	shalt  }
0x50: {  	_ =	shalt  }
0x51: {  	_ =	shalt  }
0x52: {  	_ =	shalt  }
0x53: {  	_ =	shalt  }
0x54: {  	_ =	shalt  }
0x55: {  	_ =	shalt  }
0x56: {  	_ =	shalt  }
0x57: {  	_ =	shalt  }
0x58: {  	_ =	shalt  }
0x59: {  	_ =	shalt  }
0x5a: {  	_ =	shalt  }
0x5b: {  	_ =	shalt  }
0x5c: {  	_ =	shalt  }
0x5d: {  	_ =	shalt  }
0x5e: {  	_ =	shalt  }
0x5f: {  	_ =	shalt  }
0x60: {  	_ =	shalt  }
0x61: {  	_ =	shalt  }
0x62: {  	_ =	shalt  }
0x63: {  	_ =	shalt  }
0x64: {  	_ =	shalt  }
0x65: {  	_ =	shalt  }
0x66: {  	_ =	shalt  }
0x67: {  	_ =	shalt  }
0x68: {  	_ =	shalt  }
0x69: {  	_ =	shalt  }
0x6a: {  	_ =	shalt  }
0x6b: {  	_ =	shalt  }
0x6c: {  	_ =	shalt  }
0x6d: {  	_ =	shalt  }
0x6e: {  	_ =	shalt  }
0x6f: {  	_ =	shalt  }
0x70: {  	_ =	shalt  }
0x71: {  	_ =	shalt  }
0x72: {  	_ =	shalt  }
0x73: {  	_ =	shalt  }
0x74: {  	_ =	shalt  }
0x75: {  	_ =	shalt  }
0x76: {  	_ =	shalt  }
0x77: {  	_ =	shalt  }
0x78: {  	_ =	shalt  }
0x79: {  	_ =	shalt  }
0x7a: {  	_ =	shalt  }
0x7b: {  	_ =	shalt  }
0x7c: {  	_ =	shalt  }
0x7d: {  	_ =	shalt  }
0x7e: {  	_ =	shalt  }
0x7f: {  	_ =	shalt  }
0x80: {  	_ =	shalt  }
0x81: {  	_ =	shalt  }
0x82: {  	_ =	shalt  }
0x83: {  	_ =	shalt  }
0x84: {  	_ =	shalt  }
0x85: {  	_ =	shalt  }
0x86: {  	_ =	shalt  }
0x87: {  	_ =	shalt  }
.Lfunc_end0:
.L_simem_size_0:
called_computation_lowered:
.L_overlay_start_0:
0x88: {  	s2 =	sld [smem:$0x3FD9]  }
0x89: {  	s3 =	sld [smem:$0x3FFE];
	_ =	sdelay $0x1  }
0x8a: {  	s1 =	srdreg.scid  }
0x8b: {  	s0 =	sand.u32 $0x1, s1  }
0x8c: {  	s17 =	sshll.u32 s0, $0xA;
	s2 =	sadd.s32 s3, s2  }
0x8d: {  	s2 =	sadd.s32 s2, s17  }
0x8e: {  	[smem:$0x3FBE] =	sst s2  }
0x8f: {  	_ = 	snop  }
0x90: {  	s2 =	sld [smem:$0x3FD0];
	(tm) =	ssettm $0x1  }
0x91: {  	s18 =	sld [smem:$0x3FFB];
	_ =	sdelay $0x3  }
0x92: {  	_ =	strace s18  }
0x93: {  	s3 =	sld [smem:$0x3FFC];
	_ =	sdelay $0x3  }
0x94: {  	_ =	strace s3  }
0x95: {  	s3 =	sld [smem:$0x3FFD];
	_ =	sdelay $0x3  }
0x96: {  	_ =	strace s3  }
0x97: {  	_ =	strace $0x8FFFFFFF  }
0x98: {  	s19 =	sld [smem:$0x3FDB];
	_ =	sdelay $0x1  }
0x99: {  	s4 =	simm.s32 $_scs_section_size  }
0x9a: {  	s5 =	simm.s32 $_size__tile_overlayer_lowered;
	s6 =	simm.s32 $_tile_overlayer_lowered  }
0x9b: {  	s22 =	simm.s32 $0x1BFF;
	s21 =	sshll.u32 s6, $0x1;
	s3 =	sadd.s32 s4, s19  }
0x9c: {  	s7 =	simm.s32 $0x0;
	s20 =	sshll.u32 s5, $0x1;
	s5 =	sadd.s32 s21, s3  }
0x9d: {  	[timem:s7], [sflag:s22] =	dma.local [hbm:s5], s20  }
0x9e: {  	_ =	swait.ge [sflag:s22], s20  }
0x9f: {  	s4 =	ssub.s32 $0x0, s20;
	[sflag:s22] =	ssyncset.done $0x0  }
0xa0: {  	[sflag:s22] =	ssyncadd.s32 s4;
	_ =	sdelay $0x1  }
0xa1: {  	s23 =	simm.s32 $0x1B8B  }
0xa2: {  	_ =	swait.ge [sflag:s23], $0x1  }
0xa3: {  	[sflag:s23] =	ssyncset.done $0x0  }
0xa4: {  	s25 =	simm.s32 $0x1B8E;
	s24 =	sld [smem:$0x3FFE];
	[sflag:s23] =	ssyncadd.s32 $0xFFFFFFFF  }
0xa5: {  	s26 =	simm.s32 $execute0_lowered;
	[smem:$0x3FD2] =	sst s25  }
0xa6: {  	s5 =	sshll.u32 s26, $0x1;
	_ =	strace $0x80000046;
	[dreg:$0x1] =	wrdreg $0xFFFFFFFF  }
0xa7: {  	s28 =	simm.s32 $_size_execute0_lowered;
	s3 =	sadd.s32 s3, s5;
	[dreg:$0x0] =	wrdreg $0x0  }
0xa8: {  	s5 =	sshll.u32 s28, $0x1;
	[dreg:$0x2] =	wrdreg s3  }
0xa9: {  	[dreg:$0x3] =	wrdreg s5  }
0xaa: {  	[dreg:$0x4] =	wrdreg $0xC0  }
0xab: {  	_ =	task [dreg:s7], $0x5FFFF  }
0xac: {  	[dreg:$0x1] =	wrdreg $0xFFFFFFFF  }
0xad: {  	[dreg:$0x0] =	wrdreg $0x60  }
0xae: {  	[dreg:$0x2] =	wrdreg s2  }
0xaf: {  	[dreg:$0x3] =	wrdreg s24  }
0xb0: {  	[dreg:$0x4] =	wrdreg $0x9  }
0xb1: {  	_ =	task.clear_ibuf [dreg:s7], $0x5FFFF;
	_ =	strace $0x90000046  }
0xb2: {  	s29 =	simm.s32 $0x9;
	_ =	strace $0x80000048  }
0xb3: {  	_ =	swait.ge [sflag:s29], $0x1  }
0xb4: {  	[sflag:s29] =	ssyncadd.s32 $0xFFFFFFFF  }
0xb5: {  	_ =	strace $0x90000048  }
0xb6: {  	_ =	sfence  }
0xb7: {  	s30 =	sld [smem:$0x0];
	_ =	sdelay $0x2  }
0xb8: {  	s31 =	sshll.u32 s1, $0xD;
	s1 =	sshrl.u32 s1, $0x2  }
0xb9: {  	s3 =	sand.u32 $0x4000, s31;
	s1 =	sadd.s32 s1, s30  }
0xba: {  	s0 =	sor.u32 s3, s0;
	s1 =	sshll.u32 s1, $0x11  }
0xbb: {  	s0 =	sor.u32 s1, s0  }
0xbc: {  	s0 =	sadd.s32 $0x8F2B, s0  }
0xbd: {  	[sflag:s0] =	ssyncadd.remote.s32 $0x1  }
0xbe: {  	_ =	sfence.sel $0xFFFF  }
0xbf: {  	[dreg:$0x0] =	wrdreg $0xFFFFFFFF;
	(pc) =	sbr.abs _section_cstart, $3  }
0xc0: {  	[dreg:$0x1] =	wrdreg $0xFFFFFFFF  }
0xc1: {  	_ =	task.clear_ibuf [dreg:s7], $0x2FFFF;
	_ =	strace $0x9FFFFFFF  }
0xc2: {  	(tm) =	ssettm $0x7FFFFFFF  }
0xc3: {  	_ =	shalt  }
tec
execute0_lowered:
.L_overlay_start_1:
0x0: {  	(tag) =	ssettag $0x1  }
0x1: {  	s1 =	srdreg.scid;
	s0 =	stileid.u32  }
0x2: {  	s2 =	rddreg [dreg:$0x0];
	s6 =	sand.u32 $0x1, s1;
	s30 =	sshll.u32 s0, $0x1  }
0x3: {  	s8 =	rddreg [dreg:$0x1];
	s7 =	sor.u32 s6, s30  }
0x4: {  	s3 =	simm.s32 $0x0;
	s1 =	rddreg [dreg:$0x2];
	s4 =	smul.u32 $0x271, s7  }
0x5: {  	[smem:$0x7FF] =	sst s3  }
0x6: {  	_ =	strace $0x80000047;
	s10 =	ssub.s32 $0x2, s6;
	s4 =	sadd.s32 s4, s8  }
0x7: {  	s6 =	simm.s32 $0x1388;
	s5 =	sadd.s32 $0x1C00, s4;
	s4 =	simm.s32 $0x2  }
0x8: {  	[tilespmem:s3], [sflag:$0x2] =	stream.linear.gather [hbm4b:s5+s3], $0x1388, $0x38;
	[tilespmem:$0x14C08] =	vst v63  }
0x9: {  	s9 =	smul.u32 $0x2710, s7;
	s11 =	sshrl.u32 s10, $0x1;
	_ =	swait.ge [sflag:s4], $0x1388  }
0xa: {  	s7 =	simm.s32 $0x1;
	s31 =	ssub.s32 s10, s11;
	[sflag:s4] =	ssyncset.done $0x0  }
0xb: {  	s8 =	sadd.s32 s9, s8;
	s9 =	smax.u32 s31, $0x1;
	[sflag:s4] =	ssyncadd.s32 $0xFFFFEC78  }
0xc: {  	[tilespmem:s6], [sflag:$0x1] =	stream.indirect.gather [hbm4b:s2+s6], $0x10, s3, s6, $0xb8;
	[tilespmem:$0x14C08] =	vst v63  }
0xd: {  	p0 =	sne.s32 s9, $0x1;
	_ =	swait.ge [sflag:s7], $0x13880  }
.Ltmp0:
0xe: {  	[sflag:s7] =	ssyncset.done $0x0;
	(pc) =	sbr.rel @!p0 .LBB2_2-.Ltmp0, $4  }
0xf: {  	s8 =	sadd.s32 $0xBC00, s8;
	[sflag:s7] =	ssyncadd.s32 $0xFFFEC780  }
0x10: {  	[hbm4b:s8+s3] =	stream.linear.scatter [tilespmem:s6], [sflag:$0x2], $0x13880, $0x38;
	[tilespmem:$0x14C08] =	vst v63  }
0x11: {  	_ =	swait.ge [sflag:s4], $0x13880  }
0x12: {  	s9 =	sadd.s32 $0xFFFFFFFF, s9;
	[sflag:s4] =	ssyncset.done $0x0  }
.LBB2_1:
0x13: {  	p0 =	sne.s32 s9, $0x1;
	s9 =	sadd.s32 $0xFFFFFFFF, s9;
	[sflag:s4] =	ssyncadd.s32 $0xFFFEC780  }
0x14: {  	[tilespmem:s3], [sflag:$0x2] =	stream.linear.gather [hbm4b:s5+s3], $0x1388, $0x38;
	[tilespmem:$0x14C08] =	vst v63  }
0x15: {  	_ =	swait.ge [sflag:s4], $0x1388  }
0x16: {  	[sflag:s4] =	ssyncset.done $0x0  }
0x17: {  	[sflag:s4] =	ssyncadd.s32 $0xFFFFEC78  }
0x18: {  	[tilespmem:s6], [sflag:$0x1] =	stream.indirect.gather [hbm4b:s2+s6], $0x10, s3, s6, $0xb8;
	[tilespmem:$0x14C08] =	vst v63  }
0x19: {  	_ =	swait.ge [sflag:s7], $0x13880  }
.Ltmp1:
0x1a: {  	[sflag:s7] =	ssyncset.done $0x0;
	(pc) =	sbr.rel @p0 .LBB2_1-.Ltmp1, $4  }
0x1b: {  	[sflag:s7] =	ssyncadd.s32 $0xFFFEC780  }
0x1c: {  	[hbm4b:s8+s3] =	stream.linear.scatter [tilespmem:s6], [sflag:$0x2], $0x13880, $0x38;
	[tilespmem:$0x14C08] =	vst v63  }
0x1d: {  	_ =	swait.ge [sflag:s4], $0x13880  }
0x1e: {  	[sflag:s4] =	ssyncset.done $0x0  }
.LBB2_2:
0x1f: {  	[sflag:s4] =	ssyncadd.s32 $0xFFFEC780  }
0x20: {  	_ =	sfence.sel $0x180000  }
0x21: {  	[bflag:$0x0] =	sbarrier.arrive $0xFFFF  }
0x22: {  	p0 =	sne.s32 s0, $0x0;
	_ =	strace $0x90000047  }
0x23: {  	s0 =	sadd.s32 @!p0 $0x100000, s1;
	[bflag:$0x2] =	sbarrier.arrive $0xFFFF  }
0x24: {  	[sflag:s0] =	ssyncadd.tile.s32 @!p0 $0x1;
	_ =	shalt  }
.Lfunc_end2:
_tile_overlayer_lowered:
.L_overlay_start_2:
0x25: {  	(tag) =	ssettag $0x2  }
0x26: {  	s0 =	rddreg [dreg:$0x0];
	s2 =	stileid.u32  }
0x27: {  	s1 =	rddreg [dreg:$0x1];
	p0 =	sne.s32 s2, $0x0  }
0x28: {  	s3 =	rddreg [dreg:$0x2];
	[bflag:$0x3] =	sbarrier.arrive $0xFFFF;
	s2 =	simm.s32 @!p0 $0x1C02  }
0x29: {  	[timem:s3], [sflag:s2] =	dma.local @!p0 [hbm:s0], s1  }
0x2a: {  	s0 =	simm.s32 @!p0 $0x2  }
0x2b: {  	_ =	swait.ge @!p0 [sflag:s0], s1  }
0x2c: {  	s1 =	ssub.s32 @!p0 $0x0, s1;
	[sflag:s0] =	ssyncset.done @!p0 $0x0  }
0x2d: {  	[sflag:s0] =	ssyncadd.s32 @!p0 s1  }
0x2e: {  	[bflag:$0x3] =	sbarrier.arrive $0xFFFF  }
0x2f: {  	_ =	shalt  }

// kernel: kernel.9.cloned.1.call-start
scs
__scs_entry_jumppad:
0x0: {  	(pc) =	sbr.rel $0x88, $3  }
0x1: {  	(tag) =	ssettag $0x0;
	lr =	simm.s32 $0x1  }
0x2: {  	[smem:$0x3F97] =	sst lr;
	_ =	strace $0xD0000000  }
0x3: {  	_ = 	snop  }
0x4: {  	_ = 	snop  }
0x5: {  	_ = 	snop  }
0x6: {  	_ = 	snop  }
0x7: {  	_ = 	snop  }
__scs_overlays_trampoline_lowered:
0x8: {  	[smem:$0x3FA6] =	sst s0  }
0x9: {  	[smem:$0x3FA7] =	sst s1  }
0xa: {  	[smem:$0x3FA8] =	sst s2  }
0xb: {  	[smem:$0x3FA9] =	sst s3  }
0xc: {  	[smem:$0x3FAA] =	sst s4  }
0xd: {  	[smem:$0x3FAB] =	sst s5  }
0xe: {  	[smem:$0x3FAC] =	sst s6  }
0xf: {  	[smem:$0x3FAD] =	sst s7  }
0x10: {  	[smem:$0x3FAE] =	sst s8  }
0x11: {  	[smem:$0x3FAF] =	sst s9;
	s0 =	simm.s32 @!p0 $0x0  }
0x12: {  	s1 =	sld [smem:$0x3F95];
	s0 =	simm.s32 @p0 $0x1  }
0x13: {  	[smem:$0x3FB0] =	sst s0;
	s0 =	simm.s32 @!p1 $0x0  }
0x14: {  	s2 =	sld [smem:$0x3F94];
	s0 =	simm.s32 @p1 $0x1  }
0x15: {  	[smem:$0x3FB1] =	sst s0;
	s0 =	simm.s32 @!p2 $0x0  }
0x16: {  	s3 =	sld [smem:$0x3FDB];
	s0 =	simm.s32 @p2 $0x1  }
0x17: {  	s4 =	simm.s32 $0x1BF5;
	[smem:$0x3FB3] =	sst s0  }
0x18: {  	s0 =	sld [smem:$0x3F96];
	_ =	swait.ge [sflag:s4], $0x0  }
0x19: {  	s7 =	sld [smem:$0x3F97]  }
0x1a: {  	s8 =	sadd.s32 $0xFFFFE003, lr  }
0x1b: {  	s9 =	sadd.s32 $0xFFFFFEF7, lr;
	s5 =	simm.s32 $0xFFFFFFFF;
	p2 =	slt.u32 s8, $0xFFFFF086  }
0x1c: {  	p1 =	slt.u32 s9, $0xF7A;
	s5 =	simm.s32 @!p2 $0x0  }
0x1d: {  	s5 =	simm.s32 @p1 $0x1;
	p0 =	seq.s32 s7, s2  }
0x1e: {  	s7 =	smul.u32 @!p0 $0xF7A, s2;
	p2 =	seq.s32 @!p0 s5, $0x0  }
0x1f: {  	s9 =	smul.u32 $0xF7A, s1;
	s8 =	simm.s32 @!p0 $0x1BF5;
	p2 =	por !p2, p0  }
0x20: {  	[sflag:s8] =	ssyncset.s32 @!p0 $0xFFFFF086;
	s6 =	sadd.s32 @!p0 s3, s7;
	s7 =	simm.s32 @!p0 $0x108  }
0x21: {  	s3 =	sadd.s32 s3, s9;
	s6 =	sadd.s32 @!p0 $0x88, s6;
	s7 =	simm.s32 @p2 $0x1082  }
0x22: {  	[simem:s7], [sflag:s8] =	dma.local @!p0 [hbm:s6], $0xF7A  }
0x23: {  	s9 =	sor.u32 $0xD0000000, s2;
	s6 =	simm.s32 $0x108;
	_ =	swait.ge @!p0 [sflag:s8], $0x0  }
0x24: {  	s3 =	sadd.s32 $0x88, s3;
	s6 =	simm.s32 @!p1 $0x1082;
	[sflag:s4] =	ssyncset.s32 $0xFFFFF086  }
0x25: {  	[simem:s6], [sflag:s4] =	dma.local [hbm:s3], $0xF7A  }
0x26: {  	[smem:$0x3F97] =	sst s1;
	(tag) =	ssettag s2;
	_ =	strace s9  }
0x27: {  	s1 =	sld [smem:$0x3FA7]  }
0x28: {  	s2 =	sld [smem:$0x3FA8]  }
0x29: {  	s4 =	sld [smem:$0x3FAA]  }
0x2a: {  	p0 =	seq.s32 s5, $0x0;
	s5 =	sld [smem:$0x3FAB]  }
0x2b: {  	s6 =	sld [smem:$0x3FAC]  }
0x2c: {  	s7 =	sld [smem:$0x3FAD]  }
0x2d: {  	s3 =	simm.s32 $0x108;
	s8 =	sld [smem:$0x3FAE]  }
0x2e: {  	s3 =	simm.s32 @!p0 $0x1082;
	s9 =	sld [smem:$0x3FAF]  }
0x2f: {  	lr =	sadd.s32 s0, s3;
	s0 =	sld [smem:$0x3FA6]  }
0x30: {  	s3 =	sld [smem:$0x3FA9]  }
0x31: {  	[smem:$0x3FB2] =	sst s10  }
0x32: {  	s10 =	sld [smem:$0x3FB0];
	_ =	sdelay $0x3  }
0x33: {  	p0 =	seq.s32 s10, $0x1;
	s10 =	sld [smem:$0x3FB2];
	_ =	sdelay $0x3  }
0x34: {  	[smem:$0x3FB2] =	sst s10  }
0x35: {  	s10 =	sld [smem:$0x3FB1];
	_ =	sdelay $0x3  }
0x36: {  	p1 =	seq.s32 s10, $0x1;
	s10 =	sld [smem:$0x3FB2];
	_ =	sdelay $0x3  }
0x37: {  	[smem:$0x3FB2] =	sst s10  }
0x38: {  	s10 =	sld [smem:$0x3FB3]  }
0x39: {  	_ = 	snop;
	(pc) =	sbr.ind lr, $3  }
0x3a: {  	_ = 	snop  }
0x3b: {  	_ = 	snop  }
0x3c: {  	p2 =	seq.s32 s10, $0x1;
	s10 =	sld [smem:$0x3FB2]  }
0x3d: {  	_ =	shalt  }
0x3e: {  	_ =	shalt  }
0x3f: {  	_ =	shalt  }
0x40: {  	_ =	shalt  }
0x41: {  	_ =	shalt  }
0x42: {  	_ =	shalt  }
0x43: {  	_ =	shalt  }
0x44: {  	_ =	shalt  }
0x45: {  	_ =	shalt  }
0x46: {  	_ =	shalt  }
0x47: {  	_ =	shalt  }
0x48: {  	_ =	shalt  }
0x49: {  	_ =	shalt  }
0x4a: {  	_ =	shalt  }
0x4b: {  	_ =	shalt  }
0x4c: {  	_ =	shalt  }
0x4d: {  	_ =	shalt  }
0x4e: {  	_ =	shalt  }
0x4f: {  	_ =	shalt  }
0x50: {  	_ =	shalt  }
0x51: {  	_ =	shalt  }
0x52: {  	_ =	shalt  }
0x53: {  	_ =	shalt  }
0x54: {  	_ =	shalt  }
0x55: {  	_ =	shalt  }
0x56: {  	_ =	shalt  }
0x57: {  	_ =	shalt  }
0x58: {  	_ =	shalt  }
0x59: {  	_ =	shalt  }
0x5a: {  	_ =	shalt  }
0x5b: {  	_ =	shalt  }
0x5c: {  	_ =	shalt  }
0x5d: {  	_ =	shalt  }
0x5e: {  	_ =	shalt  }
0x5f: {  	_ =	shalt  }
0x60: {  	_ =	shalt  }
0x61: {  	_ =	shalt  }
0x62: {  	_ =	shalt  }
0x63: {  	_ =	shalt  }
0x64: {  	_ =	shalt  }
0x65: {  	_ =	shalt  }
0x66: {  	_ =	shalt  }
0x67: {  	_ =	shalt  }
0x68: {  	_ =	shalt  }
0x69: {  	_ =	shalt  }
0x6a: {  	_ =	shalt  }
0x6b: {  	_ =	shalt  }
0x6c: {  	_ =	shalt  }
0x6d: {  	_ =	shalt  }
0x6e: {  	_ =	shalt  }
0x6f: {  	_ =	shalt  }
0x70: {  	_ =	shalt  }
0x71: {  	_ =	shalt  }
0x72: {  	_ =	shalt  }
0x73: {  	_ =	shalt  }
0x74: {  	_ =	shalt  }
0x75: {  	_ =	shalt  }
0x76: {  	_ =	shalt  }
0x77: {  	_ =	shalt  }
0x78: {  	_ =	shalt  }
0x79: {  	_ =	shalt  }
0x7a: {  	_ =	shalt  }
0x7b: {  	_ =	shalt  }
0x7c: {  	_ =	shalt  }
0x7d: {  	_ =	shalt  }
0x7e: {  	_ =	shalt  }
0x7f: {  	_ =	shalt  }
0x80: {  	_ =	shalt  }
0x81: {  	_ =	shalt  }
0x82: {  	_ =	shalt  }
0x83: {  	_ =	shalt  }
0x84: {  	_ =	shalt  }
0x85: {  	_ =	shalt  }
0x86: {  	_ =	shalt  }
0x87: {  	_ =	shalt  }
.Lfunc_end0:
.L_simem_size_0:
called_computation.1_lowered:
.L_overlay_start_0:
0x88: {  	s2 =	sld [smem:$0x3FD9]  }
0x89: {  	s3 =	sld [smem:$0x3FFE];
	_ =	sdelay $0x1  }
0x8a: {  	s1 =	srdreg.scid  }
0x8b: {  	s0 =	sand.u32 $0x1, s1  }
0x8c: {  	s17 =	sshll.u32 s0, $0xA;
	s2 =	sadd.s32 s3, s2  }
0x8d: {  	s2 =	sadd.s32 s2, s17  }
0x8e: {  	[smem:$0x3FBE] =	sst s2  }
0x8f: {  	_ = 	snop  }
0x90: {  	s2 =	sld [smem:$0x3FD0];
	(tm) =	ssettm $0x1  }
0x91: {  	s18 =	sld [smem:$0x3FFB];
	_ =	sdelay $0x3  }
0x92: {  	_ =	strace s18  }
0x93: {  	s3 =	sld [smem:$0x3FFC];
	_ =	sdelay $0x3  }
0x94: {  	_ =	strace s3  }
0x95: {  	s3 =	sld [smem:$0x3FFD];
	_ =	sdelay $0x3  }
0x96: {  	_ =	strace s3  }
0x97: {  	_ =	strace $0x8FFFFFFF  }
0x98: {  	s19 =	sld [smem:$0x3FDB];
	_ =	sdelay $0x1  }
0x99: {  	s4 =	simm.s32 $_scs_section_size  }
0x9a: {  	s5 =	simm.s32 $_size__tile_overlayer_lowered;
	s6 =	simm.s32 $_tile_overlayer_lowered  }
0x9b: {  	s22 =	simm.s32 $0x1BFF;
	s21 =	sshll.u32 s6, $0x1;
	s3 =	sadd.s32 s4, s19  }
0x9c: {  	s7 =	simm.s32 $0x0;
	s20 =	sshll.u32 s5, $0x1;
	s5 =	sadd.s32 s21, s3  }
0x9d: {  	[timem:s7], [sflag:s22] =	dma.local [hbm:s5], s20  }
0x9e: {  	_ =	swait.ge [sflag:s22], s20  }
0x9f: {  	s4 =	ssub.s32 $0x0, s20;
	[sflag:s22] =	ssyncset.done $0x0  }
0xa0: {  	[sflag:s22] =	ssyncadd.s32 s4;
	_ =	sdelay $0x1  }
0xa1: {  	s23 =	simm.s32 $0x1B8B  }
0xa2: {  	_ =	swait.ge [sflag:s23], $0x1  }
0xa3: {  	[sflag:s23] =	ssyncset.done $0x0  }
0xa4: {  	s25 =	simm.s32 $0x1B8E;
	s24 =	sld [smem:$0x3FFE];
	[sflag:s23] =	ssyncadd.s32 $0xFFFFFFFF  }
0xa5: {  	s26 =	simm.s32 $execute0_lowered;
	[smem:$0x3FD2] =	sst s25  }
0xa6: {  	s5 =	sshll.u32 s26, $0x1;
	_ =	strace $0x80000049;
	[dreg:$0x1] =	wrdreg $0xFFFFFFFF  }
0xa7: {  	s28 =	simm.s32 $_size_execute0_lowered;
	s3 =	sadd.s32 s3, s5;
	[dreg:$0x0] =	wrdreg $0x0  }
0xa8: {  	s5 =	sshll.u32 s28, $0x1;
	[dreg:$0x2] =	wrdreg s3  }
0xa9: {  	[dreg:$0x3] =	wrdreg s5  }
0xaa: {  	[dreg:$0x4] =	wrdreg $0xC0  }
0xab: {  	_ =	task [dreg:s7], $0x5FFFF  }
0xac: {  	[dreg:$0x1] =	wrdreg $0xFFFFFFFF  }
0xad: {  	[dreg:$0x0] =	wrdreg $0x60  }
0xae: {  	[dreg:$0x2] =	wrdreg s24  }
0xaf: {  	[dreg:$0x3] =	wrdreg s2  }
0xb0: {  	[dreg:$0x4] =	wrdreg $0x80E80  }
0xb1: {  	[dreg:$0x5] =	wrdreg $0xA7F80  }
0xb2: {  	[dreg:$0x6] =	wrdreg $0x9  }
0xb3: {  	_ =	task.clear_ibuf [dreg:s7], $0x7FFFF;
	_ =	strace $0x90000049  }
0xb4: {  	s29 =	simm.s32 $0x9;
	_ =	strace $0x8000004B  }
0xb5: {  	_ =	swait.ge [sflag:s29], $0x1  }
0xb6: {  	[sflag:s29] =	ssyncadd.s32 $0xFFFFFFFF  }
0xb7: {  	_ =	strace $0x9000004B  }
0xb8: {  	_ =	sfence  }
0xb9: {  	s30 =	sld [smem:$0x0];
	_ =	sdelay $0x2  }
0xba: {  	s31 =	sshll.u32 s1, $0xD;
	s1 =	sshrl.u32 s1, $0x2  }
0xbb: {  	s3 =	sand.u32 $0x4000, s31;
	s1 =	sadd.s32 s1, s30  }
0xbc: {  	s0 =	sor.u32 s3, s0;
	s1 =	sshll.u32 s1, $0x11  }
0xbd: {  	s0 =	sor.u32 s1, s0  }
0xbe: {  	s0 =	sadd.s32 $0x8F2B, s0  }
0xbf: {  	[sflag:s0] =	ssyncadd.remote.s32 $0x1  }
0xc0: {  	_ =	sfence.sel $0xFFFF  }
0xc1: {  	[dreg:$0x0] =	wrdreg $0xFFFFFFFF;
	(pc) =	sbr.abs _section_cstart, $3  }
0xc2: {  	[dreg:$0x1] =	wrdreg $0xFFFFFFFF  }
0xc3: {  	_ =	task.clear_ibuf [dreg:s7], $0x2FFFF;
	_ =	strace $0x9FFFFFFF  }
0xc4: {  	(tm) =	ssettm $0x7FFFFFFF  }
0xc5: {  	_ =	shalt  }
tec
execute0_lowered:
.L_overlay_start_1:
0x0: {  	(tag) =	ssettag $0x1  }
0x1: {  	s4 =	rddreg [dreg:$0x0]  }
0x2: {  	s18 =	rddreg [dreg:$0x1]  }
0x3: {  	s3 =	rddreg [dreg:$0x2]  }
0x4: {  	s1 =	rddreg [dreg:$0x3]  }
0x5: {  	s0 =	rddreg [dreg:$0x4];
	s2 =	simm.s32 $0x0  }
0x6: {  	s5 =	srdreg.scid;
	s6 =	stileid.u32;
	p1 =	por $0x0, $0x0  }
0x7: {  	[smem:$0x7FF] =	sst s2;
	s5 =	sand.u32 $0x1, s5;
	s7 =	sshll.u32 s6, $0x1  }
0x8: {  	s9 =	sadd.s32 $0x27CC00, s4;
	s10 =	sadd.s32 $0x6C00, s4;
	s21 =	sadd.s32 $0x1C00, s4  }
0x9: {  	p0 =	sne.s32 s6, $0x0;
	s8 =	smul.u32 $0x4E20, s5;
	s7 =	sor.u32 s5, s7  }
0xa: {  	_ =	strace $0x8000004A;
	s5 =	ssub.s32 $0x2, s5;
	s11 =	smul.u32 $0x1388, s7  }
0xb: {  	s6 =	simm.s32 @!p0 $0x1;
	s17 =	sshrl.u32 s5, $0x1;
	s7 =	smul.u32 $0x2710, s7  }
0xc: {  	s4 =	sadd.s32 s8, s4;
	s8 =	ssub.s32 s5, s17;
	s12 =	sshrl.u32 s11, $0x3  }
0xd: {  	s19 =	sadd.s32 $0x3E8, s11;
	s22 =	sadd.s32 s9, s7;
	s24 =	sadd.s32 $0x7D0, s11  }
0xe: {  	s26 =	sadd.s32 $0xBB8, s11;
	s30 =	sadd.s32 $0xFA0, s11;
	s8 =	smax.u32 s8, $0x1  }
0xf: {  	s23 =	sadd.s32 s10, s12;
	s20 =	sshrl.u32 s19, $0x3;
	s5 =	sshll.u32 s19, $0x1  }
0x10: {  	s25 =	sshrl.u32 s24, $0x3;
	s28 =	sshrl.u32 s26, $0x3;
	s29 =	sshll.u32 s26, $0x1  }
0x11: {  	s31 =	sshrl.u32 s30, $0x3;
	s17 =	sadd.s32 s10, s25;
	s25 =	sadd.s32 $0xFFFFFFFF, s8  }
0x12: {  	s7 =	sshll.u32 s30, $0x1;
	s12 =	simm.s32 $0x3E8;
	p2 =	sne.s32 s25, $0x0  }
.Ltmp0:
0x13: {  	s20 =	sadd.s32 s10, s20;
	s19 =	sadd.s32 s9, s5;
	(pc) =	sbr.rel @!p2 .LBB2_1-.Ltmp0, $4  }
0x14: {  	s5 =	sshll.u32 s24, $0x1;
	s15 =	sadd.s32 s10, s28;
	s14 =	sadd.s32 s9, s29  }
0x15: {  	s13 =	sadd.s32 s10, s31;
	s11 =	sadd.s32 s9, s7;
	s7 =	simm.s32 $0x1  }
0x16: {  	s10 =	sshrl.u32 @!p0 s3, $0x3;
	s8 =	sshrl.u32 @!p0 s1, $0x3;
	s16 =	sadd.s32 s9, s5  }
0x17: {  	s5 =	sadd.s32 $0xBC00, s4;
	s4 =	sadd.s32 $0x15A00, s4;
	s9 =	simm.s32 $0x4268  }
0x18: {  	s24 =	simm.s32 @!p0 $0x1C01  }
0x19: {  	[spmem:s10], [sflag:s24] =	dma.local @!p0 [hbm:s18], $0x4E20  }
0x1a: {  	_ =	swait.ge @!p0 [sflag:s6], $0x4E20  }
0x1b: {  	[sflag:s6] =	ssyncset.done @!p0 $0x0  }
0x1c: {  	[sflag:s6] =	ssyncadd.s32 @!p0 $0xFFFFB1E0  }
0x1d: {  	[spmem:s8], [sflag:s24] =	dma.local @!p0 [hbm:s18], $0x4E20  }
0x1e: {  	_ =	swait.ge @!p0 [sflag:s6], $0x4E20  }
0x1f: {  	[sflag:s6] =	ssyncset.done @!p0 $0x0  }
0x20: {  	[sflag:s6] =	ssyncadd.s32 @!p0 $0xFFFFB1E0  }
0x21: {  	[bflag:$0x0] =	sbarrier.arrive $0xFFFF  }
0x22: {  	[tilespmem:s9], [sflag:$0x1] =	stream.linear.gather [hbm4b:s21+s2], $0x3E80, $0x38;
	[tilespmem:$0xCF08] =	vst v63  }
0x23: {  	_ =	swait.ge [sflag:s7], $0x3E80  }
0x24: {  	[sflag:s7] =	ssyncset.done $0x0  }
0x25: {  	[sflag:s7] =	ssyncadd.s32 $0xFFFFC180  }
0x26: {  	[tilespmem:s2], [sflag:$0x1] =	stream.linear.gather [hbm4b:s23+s2], $0x3E8, $0x38;
	[tilespmem:$0xCF08] =	vst v63  }
0x27: {  	_ =	swait.ge [sflag:s7], $0x3E8  }
0x28: {  	[sflag:s7] =	ssyncset.done $0x0  }
0x29: {  	[sflag:s7] =	ssyncadd.s32 $0xFFFFFC18  }
0x2a: {  	[tilespmem:s12], [sflag:$0x1] =	stream.linear.gather [hbm4b:s22+s2], $0x3E80, $0x38;
	[tilespmem:$0xCF08] =	vst v63  }
0x2b: {  	_ =	swait.ge [sflag:s7], $0x3E80  }
0x2c: {  	[sflag:s7] =	ssyncset.done $0x0  }
0x2d: {  	[sflag:s7] =	ssyncadd.s32 $0xFFFFC180  }
0x2e: {  	[spmem:s3] =	stream.indirect.scatter.add.f32 [tilespmem:s12], [sflag:$0x1], $0x10, s2, s12, $0xb8;
	[tilespmem:$0xCF08] =	vst v63  }
0x2f: {  	_ =	swait.ge [sflag:s7], $0x3E80  }
0x30: {  	[sflag:s7] =	ssyncset.done $0x0  }
0x31: {  	[sflag:s7] =	ssyncadd.s32 $0xFFFFC180  }
0x32: {  	[spmem:s1] =	stream.indirect.scatter.add.f32 [tilespmem:s9], [sflag:$0x1], $0x10, s2, s12, $0xb8;
	[tilespmem:$0xCF08] =	vst v63  }
0x33: {  	_ =	swait.ge [sflag:s7], $0x3E80  }
0x34: {  	[sflag:s7] =	ssyncset.done $0x0  }
0x35: {  	[sflag:s7] =	ssyncadd.s32 $0xFFFFC180  }
0x36: {  	[tilespmem:s2], [sflag:$0x1] =	stream.linear.gather [hbm4b:s20+s2], $0x3E8, $0x38;
	[tilespmem:$0xCF08] =	vst v63  }
0x37: {  	_ =	swait.ge [sflag:s7], $0x3E8  }
0x38: {  	[sflag:s7] =	ssyncset.done $0x0  }
0x39: {  	[sflag:s7] =	ssyncadd.s32 $0xFFFFFC18  }
0x3a: {  	[tilespmem:s12], [sflag:$0x1] =	stream.linear.gather [hbm4b:s19+s2], $0x3E80, $0x38;
	[tilespmem:$0xCF08] =	vst v63  }
0x3b: {  	_ =	swait.ge [sflag:s7], $0x3E80  }
0x3c: {  	[sflag:s7] =	ssyncset.done $0x0  }
0x3d: {  	[sflag:s7] =	ssyncadd.s32 $0xFFFFC180  }
0x3e: {  	[spmem:s3] =	stream.indirect.scatter.add.f32 [tilespmem:s12], [sflag:$0x1], $0x10, s2, s12, $0xb8;
	[tilespmem:$0xCF08] =	vst v63  }
0x3f: {  	_ =	swait.ge [sflag:s7], $0x3E80  }
0x40: {  	[sflag:s7] =	ssyncset.done $0x0  }
0x41: {  	[sflag:s7] =	ssyncadd.s32 $0xFFFFC180  }
0x42: {  	[spmem:s1] =	stream.indirect.scatter.add.f32 [tilespmem:s9], [sflag:$0x1], $0x10, s2, s12, $0xb8;
	[tilespmem:$0xCF08] =	vst v63  }
0x43: {  	_ =	swait.ge [sflag:s7], $0x3E80  }
0x44: {  	[sflag:s7] =	ssyncset.done $0x0  }
0x45: {  	[sflag:s7] =	ssyncadd.s32 $0xFFFFC180  }
0x46: {  	[tilespmem:s2], [sflag:$0x1] =	stream.linear.gather [hbm4b:s17+s2], $0x3E8, $0x38;
	[tilespmem:$0xCF08] =	vst v63  }
0x47: {  	_ =	swait.ge [sflag:s7], $0x3E8  }
0x48: {  	[sflag:s7] =	ssyncset.done $0x0  }
0x49: {  	[sflag:s7] =	ssyncadd.s32 $0xFFFFFC18  }
0x4a: {  	[tilespmem:s12], [sflag:$0x1] =	stream.linear.gather [hbm4b:s16+s2], $0x3E80, $0x38;
	[tilespmem:$0xCF08] =	vst v63  }
0x4b: {  	_ =	swait.ge [sflag:s7], $0x3E80  }
0x4c: {  	[sflag:s7] =	ssyncset.done $0x0  }
0x4d: {  	[sflag:s7] =	ssyncadd.s32 $0xFFFFC180  }
0x4e: {  	[spmem:s3] =	stream.indirect.scatter.add.f32 [tilespmem:s12], [sflag:$0x1], $0x10, s2, s12, $0xb8;
	[tilespmem:$0xCF08] =	vst v63  }
0x4f: {  	_ =	swait.ge [sflag:s7], $0x3E80  }
0x50: {  	[sflag:s7] =	ssyncset.done $0x0  }
0x51: {  	[sflag:s7] =	ssyncadd.s32 $0xFFFFC180  }
0x52: {  	[spmem:s1] =	stream.indirect.scatter.add.f32 [tilespmem:s9], [sflag:$0x1], $0x10, s2, s12, $0xb8;
	[tilespmem:$0xCF08] =	vst v63  }
0x53: {  	_ =	swait.ge [sflag:s7], $0x3E80  }
0x54: {  	[sflag:s7] =	ssyncset.done $0x0  }
0x55: {  	[sflag:s7] =	ssyncadd.s32 $0xFFFFC180  }
0x56: {  	[tilespmem:s2], [sflag:$0x1] =	stream.linear.gather [hbm4b:s15+s2], $0x3E8, $0x38;
	[tilespmem:$0xCF08] =	vst v63  }
0x57: {  	_ =	swait.ge [sflag:s7], $0x3E8  }
0x58: {  	[sflag:s7] =	ssyncset.done $0x0  }
0x59: {  	[sflag:s7] =	ssyncadd.s32 $0xFFFFFC18  }
0x5a: {  	[tilespmem:s12], [sflag:$0x1] =	stream.linear.gather [hbm4b:s14+s2], $0x3E80, $0x38;
	[tilespmem:$0xCF08] =	vst v63  }
0x5b: {  	_ =	swait.ge [sflag:s7], $0x3E80  }
0x5c: {  	[sflag:s7] =	ssyncset.done $0x0  }
0x5d: {  	[sflag:s7] =	ssyncadd.s32 $0xFFFFC180  }
0x5e: {  	[spmem:s3] =	stream.indirect.scatter.add.f32 [tilespmem:s12], [sflag:$0x1], $0x10, s2, s12, $0xb8;
	[tilespmem:$0xCF08] =	vst v63  }
0x5f: {  	_ =	swait.ge [sflag:s7], $0x3E80  }
0x60: {  	[sflag:s7] =	ssyncset.done $0x0  }
0x61: {  	[sflag:s7] =	ssyncadd.s32 $0xFFFFC180  }
0x62: {  	[spmem:s1] =	stream.indirect.scatter.add.f32 [tilespmem:s9], [sflag:$0x1], $0x10, s2, s12, $0xb8;
	[tilespmem:$0xCF08] =	vst v63  }
0x63: {  	_ =	swait.ge [sflag:s7], $0x3E80  }
0x64: {  	[sflag:s7] =	ssyncset.done $0x0  }
0x65: {  	[sflag:s7] =	ssyncadd.s32 $0xFFFFC180  }
0x66: {  	[tilespmem:s2], [sflag:$0x1] =	stream.linear.gather [hbm4b:s13+s2], $0x3E8, $0x38;
	[tilespmem:$0xCF08] =	vst v63  }
0x67: {  	_ =	swait.ge [sflag:s7], $0x3E8  }
0x68: {  	[sflag:s7] =	ssyncset.done $0x0  }
0x69: {  	[sflag:s7] =	ssyncadd.s32 $0xFFFFFC18  }
0x6a: {  	[tilespmem:s12], [sflag:$0x1] =	stream.linear.gather [hbm4b:s11+s2], $0x3E80, $0x38;
	[tilespmem:$0xCF08] =	vst v63  }
0x6b: {  	_ =	swait.ge [sflag:s7], $0x3E80  }
0x6c: {  	[sflag:s7] =	ssyncset.done $0x0  }
0x6d: {  	[sflag:s7] =	ssyncadd.s32 $0xFFFFC180  }
0x6e: {  	[spmem:s3] =	stream.indirect.scatter.add.f32 [tilespmem:s12], [sflag:$0x1], $0x10, s2, s12, $0xb8;
	[tilespmem:$0xCF08] =	vst v63  }
0x6f: {  	_ =	swait.ge [sflag:s7], $0x3E80  }
0x70: {  	[sflag:s7] =	ssyncset.done $0x0  }
0x71: {  	[sflag:s7] =	ssyncadd.s32 $0xFFFFC180  }
0x72: {  	[spmem:s1] =	stream.indirect.scatter.add.f32 [tilespmem:s9], [sflag:$0x1], $0x10, s2, s12, $0xb8;
	[tilespmem:$0xCF08] =	vst v63  }
0x73: {  	_ =	swait.ge [sflag:s7], $0x3E80  }
0x74: {  	[sflag:s7] =	ssyncset.done $0x0  }
0x75: {  	[sflag:s7] =	ssyncadd.s32 $0xFFFFC180  }
0x76: {  	s25 =	sadd.s32 $0xFFFFFFFF, s25;
	[bflag:$0x0] =	sbarrier.arrive $0xFFFF  }
0x77: {  	[hbm:s5], [sflag:s24] =	dma.local @!p0 [spmem:s10], $0x4E20  }
0x78: {  	p2 =	sne.s32 s25, $0x0;
	_ =	swait.ge @!p0 [sflag:s6], $0x4E20  }
.Ltmp1:
0x79: {  	[sflag:s6] =	ssyncset.done @!p0 $0x0;
	(pc) =	sbr.rel @!p2 .LBB2_7-.Ltmp1, $4  }
0x7a: {  	[sflag:s6] =	ssyncadd.s32 @!p0 $0xFFFFB1E0  }
0x7b: {  	[hbm:s4], [sflag:s24] =	dma.local @!p0 [spmem:s8], $0x4E20  }
0x7c: {  	_ =	swait.ge @!p0 [sflag:s6], $0x4E20  }
0x7d: {  	p1 =	por $0x1, $0x1;
	s26 =	simm.s32 @!p0 $0x1;
	[sflag:s6] =	ssyncset.done @!p0 $0x0  }
0x7e: {  	s28 =	smov.u32 s10  }
.LBB2_4:
0x7f: {  	[sflag:s26] =	ssyncadd.s32 @!p0 $0xFFFFB1E0  }
0x80: {  	[spmem:s28], [sflag:s24] =	dma.local @!p0 [hbm:s18], $0x4E20  }
0x81: {  	s25 =	sadd.s32 $0xFFFFFFFF, s25;
	s26 =	smov.u32 s6;
	_ =	swait.ge @!p0 [sflag:s6], $0x4E20  }
0x82: {  	p2 =	sne.s32 s25, $0x0;
	[sflag:s26] =	ssyncset.done @!p0 $0x0  }
0x83: {  	[sflag:s26] =	ssyncadd.s32 @!p0 $0xFFFFB1E0  }
0x84: {  	[spmem:s8], [sflag:s24] =	dma.local @!p0 [hbm:s18], $0x4E20  }
0x85: {  	_ =	swait.ge @!p0 [sflag:s26], $0x4E20  }
0x86: {  	[sflag:s26] =	ssyncset.done @!p0 $0x0  }
0x87: {  	[sflag:s26] =	ssyncadd.s32 @!p0 $0xFFFFB1E0  }
0x88: {  	[bflag:$0x0] =	sbarrier.arrive $0xFFFF  }
0x89: {  	[tilespmem:s9], [sflag:$0x1] =	stream.linear.gather [hbm4b:s21+s2], $0x3E80, $0x38;
	[tilespmem:$0xCF08] =	vst v63  }
0x8a: {  	_ =	swait.ge [sflag:s7], $0x3E80  }
0x8b: {  	[sflag:s7] =	ssyncset.done $0x0  }
0x8c: {  	[sflag:s7] =	ssyncadd.s32 $0xFFFFC180  }
0x8d: {  	[tilespmem:s2], [sflag:$0x1] =	stream.linear.gather [hbm4b:s23+s2], $0x3E8, $0x38;
	[tilespmem:$0xCF08] =	vst v63  }
0x8e: {  	_ =	swait.ge [sflag:s7], $0x3E8  }
0x8f: {  	[sflag:s7] =	ssyncset.done $0x0  }
0x90: {  	[sflag:s7] =	ssyncadd.s32 $0xFFFFFC18  }
0x91: {  	[tilespmem:s12], [sflag:$0x1] =	stream.linear.gather [hbm4b:s22+s2], $0x3E80, $0x38;
	[tilespmem:$0xCF08] =	vst v63  }
0x92: {  	_ =	swait.ge [sflag:s7], $0x3E80  }
0x93: {  	[sflag:s7] =	ssyncset.done $0x0  }
0x94: {  	[sflag:s7] =	ssyncadd.s32 $0xFFFFC180  }
0x95: {  	[spmem:s3] =	stream.indirect.scatter.add.f32 [tilespmem:s12], [sflag:$0x1], $0x10, s2, s12, $0xb8;
	[tilespmem:$0xCF08] =	vst v63  }
0x96: {  	_ =	swait.ge [sflag:s7], $0x3E80  }
0x97: {  	[sflag:s7] =	ssyncset.done $0x0  }
0x98: {  	[sflag:s7] =	ssyncadd.s32 $0xFFFFC180  }
0x99: {  	[spmem:s1] =	stream.indirect.scatter.add.f32 [tilespmem:s9], [sflag:$0x1], $0x10, s2, s12, $0xb8;
	[tilespmem:$0xCF08] =	vst v63  }
0x9a: {  	_ =	swait.ge [sflag:s7], $0x3E80  }
0x9b: {  	[sflag:s7] =	ssyncset.done $0x0  }
0x9c: {  	[sflag:s7] =	ssyncadd.s32 $0xFFFFC180  }
0x9d: {  	[tilespmem:s2], [sflag:$0x1] =	stream.linear.gather [hbm4b:s20+s2], $0x3E8, $0x38;
	[tilespmem:$0xCF08] =	vst v63  }
0x9e: {  	_ =	swait.ge [sflag:s7], $0x3E8  }
0x9f: {  	[sflag:s7] =	ssyncset.done $0x0  }
0xa0: {  	[sflag:s7] =	ssyncadd.s32 $0xFFFFFC18  }
0xa1: {  	[tilespmem:s12], [sflag:$0x1] =	stream.linear.gather [hbm4b:s19+s2], $0x3E80, $0x38;
	[tilespmem:$0xCF08] =	vst v63  }
0xa2: {  	_ =	swait.ge [sflag:s7], $0x3E80  }
0xa3: {  	[sflag:s7] =	ssyncset.done $0x0  }
0xa4: {  	[sflag:s7] =	ssyncadd.s32 $0xFFFFC180  }
0xa5: {  	[spmem:s3] =	stream.indirect.scatter.add.f32 [tilespmem:s12], [sflag:$0x1], $0x10, s2, s12, $0xb8;
	[tilespmem:$0xCF08] =	vst v63  }
0xa6: {  	_ =	swait.ge [sflag:s7], $0x3E80  }
0xa7: {  	[sflag:s7] =	ssyncset.done $0x0  }
0xa8: {  	[sflag:s7] =	ssyncadd.s32 $0xFFFFC180  }
0xa9: {  	[spmem:s1] =	stream.indirect.scatter.add.f32 [tilespmem:s9], [sflag:$0x1], $0x10, s2, s12, $0xb8;
	[tilespmem:$0xCF08] =	vst v63  }
0xaa: {  	_ =	swait.ge [sflag:s7], $0x3E80  }
0xab: {  	[sflag:s7] =	ssyncset.done $0x0  }
0xac: {  	[sflag:s7] =	ssyncadd.s32 $0xFFFFC180  }
0xad: {  	[tilespmem:s2], [sflag:$0x1] =	stream.linear.gather [hbm4b:s17+s2], $0x3E8, $0x38;
	[tilespmem:$0xCF08] =	vst v63  }
0xae: {  	_ =	swait.ge [sflag:s7], $0x3E8  }
0xaf: {  	[sflag:s7] =	ssyncset.done $0x0  }
0xb0: {  	[sflag:s7] =	ssyncadd.s32 $0xFFFFFC18  }
0xb1: {  	[tilespmem:s12], [sflag:$0x1] =	stream.linear.gather [hbm4b:s16+s2], $0x3E80, $0x38;
	[tilespmem:$0xCF08] =	vst v63  }
0xb2: {  	_ =	swait.ge [sflag:s7], $0x3E80  }
0xb3: {  	[sflag:s7] =	ssyncset.done $0x0  }
0xb4: {  	[sflag:s7] =	ssyncadd.s32 $0xFFFFC180  }
0xb5: {  	[spmem:s3] =	stream.indirect.scatter.add.f32 [tilespmem:s12], [sflag:$0x1], $0x10, s2, s12, $0xb8;
	[tilespmem:$0xCF08] =	vst v63  }
0xb6: {  	_ =	swait.ge [sflag:s7], $0x3E80  }
0xb7: {  	[sflag:s7] =	ssyncset.done $0x0  }
0xb8: {  	[sflag:s7] =	ssyncadd.s32 $0xFFFFC180  }
0xb9: {  	[spmem:s1] =	stream.indirect.scatter.add.f32 [tilespmem:s9], [sflag:$0x1], $0x10, s2, s12, $0xb8;
	[tilespmem:$0xCF08] =	vst v63  }
0xba: {  	_ =	swait.ge [sflag:s7], $0x3E80  }
0xbb: {  	[sflag:s7] =	ssyncset.done $0x0  }
0xbc: {  	[sflag:s7] =	ssyncadd.s32 $0xFFFFC180  }
0xbd: {  	[tilespmem:s2], [sflag:$0x1] =	stream.linear.gather [hbm4b:s15+s2], $0x3E8, $0x38;
	[tilespmem:$0xCF08] =	vst v63  }
0xbe: {  	_ =	swait.ge [sflag:s7], $0x3E8  }
0xbf: {  	[sflag:s7] =	ssyncset.done $0x0  }
0xc0: {  	[sflag:s7] =	ssyncadd.s32 $0xFFFFFC18  }
0xc1: {  	[tilespmem:s12], [sflag:$0x1] =	stream.linear.gather [hbm4b:s14+s2], $0x3E80, $0x38;
	[tilespmem:$0xCF08] =	vst v63  }
0xc2: {  	_ =	swait.ge [sflag:s7], $0x3E80  }
0xc3: {  	[sflag:s7] =	ssyncset.done $0x0  }
0xc4: {  	[sflag:s7] =	ssyncadd.s32 $0xFFFFC180  }
0xc5: {  	[spmem:s3] =	stream.indirect.scatter.add.f32 [tilespmem:s12], [sflag:$0x1], $0x10, s2, s12, $0xb8;
	[tilespmem:$0xCF08] =	vst v63  }
0xc6: {  	_ =	swait.ge [sflag:s7], $0x3E80  }
0xc7: {  	[sflag:s7] =	ssyncset.done $0x0  }
0xc8: {  	[sflag:s7] =	ssyncadd.s32 $0xFFFFC180  }
0xc9: {  	[spmem:s1] =	stream.indirect.scatter.add.f32 [tilespmem:s9], [sflag:$0x1], $0x10, s2, s12, $0xb8;
	[tilespmem:$0xCF08] =	vst v63  }
0xca: {  	_ =	swait.ge [sflag:s7], $0x3E80  }
0xcb: {  	[sflag:s7] =	ssyncset.done $0x0  }
0xcc: {  	[sflag:s7] =	ssyncadd.s32 $0xFFFFC180  }
0xcd: {  	[tilespmem:s2], [sflag:$0x1] =	stream.linear.gather [hbm4b:s13+s2], $0x3E8, $0x38;
	[tilespmem:$0xCF08] =	vst v63  }
0xce: {  	_ =	swait.ge [sflag:s7], $0x3E8  }
0xcf: {  	[sflag:s7] =	ssyncset.done $0x0  }
0xd0: {  	[sflag:s7] =	ssyncadd.s32 $0xFFFFFC18  }
0xd1: {  	[tilespmem:s12], [sflag:$0x1] =	stream.linear.gather [hbm4b:s11+s2], $0x3E80, $0x38;
	[tilespmem:$0xCF08] =	vst v63  }
0xd2: {  	_ =	swait.ge [sflag:s7], $0x3E80  }
0xd3: {  	[sflag:s7] =	ssyncset.done $0x0  }
0xd4: {  	[sflag:s7] =	ssyncadd.s32 $0xFFFFC180  }
0xd5: {  	[spmem:s3] =	stream.indirect.scatter.add.f32 [tilespmem:s12], [sflag:$0x1], $0x10, s2, s12, $0xb8;
	[tilespmem:$0xCF08] =	vst v63  }
0xd6: {  	_ =	swait.ge [sflag:s7], $0x3E80  }
0xd7: {  	[sflag:s7] =	ssyncset.done $0x0  }
0xd8: {  	[sflag:s7] =	ssyncadd.s32 $0xFFFFC180  }
0xd9: {  	[spmem:s1] =	stream.indirect.scatter.add.f32 [tilespmem:s9], [sflag:$0x1], $0x10, s2, s12, $0xb8;
	[tilespmem:$0xCF08] =	vst v63  }
0xda: {  	_ =	swait.ge [sflag:s7], $0x3E80  }
0xdb: {  	[sflag:s7] =	ssyncset.done $0x0  }
0xdc: {  	[sflag:s7] =	ssyncadd.s32 $0xFFFFC180  }
0xdd: {  	[bflag:$0x0] =	sbarrier.arrive $0xFFFF  }
0xde: {  	[hbm:s5], [sflag:s24] =	dma.local @!p0 [spmem:s28], $0x4E20  }
0xdf: {  	s28 =	smov.u32 s10;
	_ =	swait.ge @!p0 [sflag:s26], $0x4E20  }
.Ltmp2:
0xe0: {  	[sflag:s26] =	ssyncset.done @!p0 $0x0;
	(pc) =	sbr.rel @p2 .LBB2_4-.Ltmp2, $4  }
0xe1: {  	[sflag:s26] =	ssyncadd.s32 @!p0 $0xFFFFB1E0  }
0xe2: {  	[hbm:s4], [sflag:s24] =	dma.local @!p0 [spmem:s8], $0x4E20  }
0xe3: {  	_ =	swait.ge @!p0 [sflag:s26], $0x4E20  }
0xe4: {  	[sflag:s26] =	ssyncset.done @!p0 $0x0  }
0xe5: {  	s10 =	smov.u32 s28  }
.LBB2_6:
0xe6: {  	p1 =	por p0, !p1  }
0xe7: {  	s24 =	simm.s32 @!p0 $0x1C01;
	[sflag:s26] =	ssyncadd.s32 @!p1 $0xFFFFB1E0  }
0xe8: {  	[spmem:s10], [sflag:s24] =	dma.local @!p0 [hbm:s18], $0x4E20  }
0xe9: {  	_ =	swait.ge @!p0 [sflag:s6], $0x4E20  }
0xea: {  	[sflag:s6] =	ssyncset.done @!p0 $0x0  }
0xeb: {  	[sflag:s6] =	ssyncadd.s32 @!p0 $0xFFFFB1E0  }
0xec: {  	[spmem:s8], [sflag:s24] =	dma.local @!p0 [hbm:s18], $0x4E20  }
0xed: {  	_ =	swait.ge @!p0 [sflag:s6], $0x4E20  }
0xee: {  	[sflag:s6] =	ssyncset.done @!p0 $0x0  }
0xef: {  	[sflag:s6] =	ssyncadd.s32 @!p0 $0xFFFFB1E0  }
0xf0: {  	[bflag:$0x0] =	sbarrier.arrive $0xFFFF  }
0xf1: {  	[tilespmem:s9], [sflag:$0x1] =	stream.linear.gather [hbm4b:s21+s2], $0x3E80, $0x38;
	[tilespmem:$0xCF08] =	vst v63  }
0xf2: {  	_ =	swait.ge [sflag:s7], $0x3E80  }
0xf3: {  	[sflag:s7] =	ssyncset.done $0x0  }
0xf4: {  	[sflag:s7] =	ssyncadd.s32 $0xFFFFC180  }
0xf5: {  	[tilespmem:s2], [sflag:$0x1] =	stream.linear.gather [hbm4b:s23+s2], $0x3E8, $0x38;
	[tilespmem:$0xCF08] =	vst v63  }
0xf6: {  	_ =	swait.ge [sflag:s7], $0x3E8  }
0xf7: {  	[sflag:s7] =	ssyncset.done $0x0  }
0xf8: {  	[sflag:s7] =	ssyncadd.s32 $0xFFFFFC18  }
0xf9: {  	[tilespmem:s12], [sflag:$0x1] =	stream.linear.gather [hbm4b:s22+s2], $0x3E80, $0x38;
	[tilespmem:$0xCF08] =	vst v63  }
0xfa: {  	_ =	swait.ge [sflag:s7], $0x3E80  }
0xfb: {  	[sflag:s7] =	ssyncset.done $0x0  }
0xfc: {  	[sflag:s7] =	ssyncadd.s32 $0xFFFFC180  }
0xfd: {  	[spmem:s3] =	stream.indirect.scatter.add.f32 [tilespmem:s12], [sflag:$0x1], $0x10, s2, s12, $0xb8;
	[tilespmem:$0xCF08] =	vst v63  }
0xfe: {  	_ =	swait.ge [sflag:s7], $0x3E80  }
0xff: {  	[sflag:s7] =	ssyncset.done $0x0  }
0x100: {  	[sflag:s7] =	ssyncadd.s32 $0xFFFFC180  }
0x101: {  	[spmem:s1] =	stream.indirect.scatter.add.f32 [tilespmem:s9], [sflag:$0x1], $0x10, s2, s12, $0xb8;
	[tilespmem:$0xCF08] =	vst v63  }
0x102: {  	_ =	swait.ge [sflag:s7], $0x3E80  }
0x103: {  	[sflag:s7] =	ssyncset.done $0x0  }
0x104: {  	[sflag:s7] =	ssyncadd.s32 $0xFFFFC180  }
0x105: {  	[tilespmem:s2], [sflag:$0x1] =	stream.linear.gather [hbm4b:s20+s2], $0x3E8, $0x38;
	[tilespmem:$0xCF08] =	vst v63  }
0x106: {  	_ =	swait.ge [sflag:s7], $0x3E8  }
0x107: {  	[sflag:s7] =	ssyncset.done $0x0  }
0x108: {  	[sflag:s7] =	ssyncadd.s32 $0xFFFFFC18  }
0x109: {  	[tilespmem:s12], [sflag:$0x1] =	stream.linear.gather [hbm4b:s19+s2], $0x3E80, $0x38;
	[tilespmem:$0xCF08] =	vst v63  }
0x10a: {  	_ =	swait.ge [sflag:s7], $0x3E80  }
0x10b: {  	[sflag:s7] =	ssyncset.done $0x0  }
0x10c: {  	[sflag:s7] =	ssyncadd.s32 $0xFFFFC180  }
0x10d: {  	[spmem:s3] =	stream.indirect.scatter.add.f32 [tilespmem:s12], [sflag:$0x1], $0x10, s2, s12, $0xb8;
	[tilespmem:$0xCF08] =	vst v63  }
0x10e: {  	_ =	swait.ge [sflag:s7], $0x3E80  }
0x10f: {  	[sflag:s7] =	ssyncset.done $0x0  }
0x110: {  	[sflag:s7] =	ssyncadd.s32 $0xFFFFC180  }
0x111: {  	[spmem:s1] =	stream.indirect.scatter.add.f32 [tilespmem:s9], [sflag:$0x1], $0x10, s2, s12, $0xb8;
	[tilespmem:$0xCF08] =	vst v63  }
0x112: {  	_ =	swait.ge [sflag:s7], $0x3E80  }
0x113: {  	[sflag:s7] =	ssyncset.done $0x0  }
0x114: {  	[sflag:s7] =	ssyncadd.s32 $0xFFFFC180  }
0x115: {  	[tilespmem:s2], [sflag:$0x1] =	stream.linear.gather [hbm4b:s17+s2], $0x3E8, $0x38;
	[tilespmem:$0xCF08] =	vst v63  }
0x116: {  	_ =	swait.ge [sflag:s7], $0x3E8  }
0x117: {  	[sflag:s7] =	ssyncset.done $0x0  }
0x118: {  	[sflag:s7] =	ssyncadd.s32 $0xFFFFFC18  }
0x119: {  	[tilespmem:s12], [sflag:$0x1] =	stream.linear.gather [hbm4b:s16+s2], $0x3E80, $0x38;
	[tilespmem:$0xCF08] =	vst v63  }
0x11a: {  	_ =	swait.ge [sflag:s7], $0x3E80  }
0x11b: {  	[sflag:s7] =	ssyncset.done $0x0  }
0x11c: {  	[sflag:s7] =	ssyncadd.s32 $0xFFFFC180  }
0x11d: {  	[spmem:s3] =	stream.indirect.scatter.add.f32 [tilespmem:s12], [sflag:$0x1], $0x10, s2, s12, $0xb8;
	[tilespmem:$0xCF08] =	vst v63  }
0x11e: {  	_ =	swait.ge [sflag:s7], $0x3E80  }
0x11f: {  	[sflag:s7] =	ssyncset.done $0x0  }
0x120: {  	[sflag:s7] =	ssyncadd.s32 $0xFFFFC180  }
0x121: {  	[spmem:s1] =	stream.indirect.scatter.add.f32 [tilespmem:s9], [sflag:$0x1], $0x10, s2, s12, $0xb8;
	[tilespmem:$0xCF08] =	vst v63  }
0x122: {  	_ =	swait.ge [sflag:s7], $0x3E80  }
0x123: {  	[sflag:s7] =	ssyncset.done $0x0  }
0x124: {  	[sflag:s7] =	ssyncadd.s32 $0xFFFFC180  }
0x125: {  	[tilespmem:s2], [sflag:$0x1] =	stream.linear.gather [hbm4b:s15+s2], $0x3E8, $0x38;
	[tilespmem:$0xCF08] =	vst v63  }
0x126: {  	_ =	swait.ge [sflag:s7], $0x3E8  }
0x127: {  	[sflag:s7] =	ssyncset.done $0x0  }
0x128: {  	[sflag:s7] =	ssyncadd.s32 $0xFFFFFC18  }
0x129: {  	[tilespmem:s12], [sflag:$0x1] =	stream.linear.gather [hbm4b:s14+s2], $0x3E80, $0x38;
	[tilespmem:$0xCF08] =	vst v63  }
0x12a: {  	_ =	swait.ge [sflag:s7], $0x3E80  }
0x12b: {  	[sflag:s7] =	ssyncset.done $0x0  }
0x12c: {  	[sflag:s7] =	ssyncadd.s32 $0xFFFFC180  }
0x12d: {  	[spmem:s3] =	stream.indirect.scatter.add.f32 [tilespmem:s12], [sflag:$0x1], $0x10, s2, s12, $0xb8;
	[tilespmem:$0xCF08] =	vst v63  }
0x12e: {  	_ =	swait.ge [sflag:s7], $0x3E80  }
0x12f: {  	[sflag:s7] =	ssyncset.done $0x0  }
0x130: {  	[sflag:s7] =	ssyncadd.s32 $0xFFFFC180  }
0x131: {  	[spmem:s1] =	stream.indirect.scatter.add.f32 [tilespmem:s9], [sflag:$0x1], $0x10, s2, s12, $0xb8;
	[tilespmem:$0xCF08] =	vst v63  }
0x132: {  	_ =	swait.ge [sflag:s7], $0x3E80  }
0x133: {  	[sflag:s7] =	ssyncset.done $0x0  }
0x134: {  	[sflag:s7] =	ssyncadd.s32 $0xFFFFC180  }
0x135: {  	[tilespmem:s2], [sflag:$0x1] =	stream.linear.gather [hbm4b:s13+s2], $0x3E8, $0x38;
	[tilespmem:$0xCF08] =	vst v63  }
0x136: {  	_ =	swait.ge [sflag:s7], $0x3E8  }
0x137: {  	[sflag:s7] =	ssyncset.done $0x0  }
0x138: {  	[sflag:s7] =	ssyncadd.s32 $0xFFFFFC18  }
0x139: {  	[tilespmem:s12], [sflag:$0x1] =	stream.linear.gather [hbm4b:s11+s2], $0x3E80, $0x38;
	[tilespmem:$0xCF08] =	vst v63  }
0x13a: {  	_ =	swait.ge [sflag:s7], $0x3E80  }
0x13b: {  	[sflag:s7] =	ssyncset.done $0x0  }
0x13c: {  	[sflag:s7] =	ssyncadd.s32 $0xFFFFC180  }
0x13d: {  	[spmem:s3] =	stream.indirect.scatter.add.f32 [tilespmem:s12], [sflag:$0x1], $0x10, s2, s12, $0xb8;
	[tilespmem:$0xCF08] =	vst v63  }
0x13e: {  	_ =	swait.ge [sflag:s7], $0x3E80  }
0x13f: {  	[sflag:s7] =	ssyncset.done $0x0  }
0x140: {  	[sflag:s7] =	ssyncadd.s32 $0xFFFFC180  }
0x141: {  	[spmem:s1] =	stream.indirect.scatter.add.f32 [tilespmem:s9], [sflag:$0x1], $0x10, s2, s12, $0xb8;
	[tilespmem:$0xCF08] =	vst v63  }
0x142: {  	_ =	swait.ge [sflag:s7], $0x3E80  }
0x143: {  	[sflag:s7] =	ssyncset.done $0x0  }
0x144: {  	[sflag:s7] =	ssyncadd.s32 $0xFFFFC180  }
0x145: {  	[bflag:$0x0] =	sbarrier.arrive $0xFFFF  }
0x146: {  	[hbm:s5], [sflag:s24] =	dma.local @!p0 [spmem:s10], $0x4E20  }
0x147: {  	_ =	swait.ge @!p0 [sflag:s6], $0x4E20  }
0x148: {  	[sflag:s6] =	ssyncset.done @!p0 $0x0  }
0x149: {  	[sflag:s6] =	ssyncadd.s32 @!p0 $0xFFFFB1E0  }
0x14a: {  	[hbm:s4], [sflag:s24] =	dma.local @!p0 [spmem:s8], $0x4E20  }
0x14b: {  	_ =	swait.ge @!p0 [sflag:s6], $0x4E20  }
0x14c: {  	[sflag:s6] =	ssyncset.done @!p0 $0x0  }
0x14d: {  	[sflag:s6] =	ssyncadd.s32 @!p0 $0xFFFFB1E0  }
0x14e: {  	_ =	sfence.sel $0x180000  }
0x14f: {  	[bflag:$0x0] =	sbarrier.arrive $0xFFFF  }
0x150: {  	_ =	strace $0x9000004A  }
0x151: {  	s0 =	sadd.s32 @!p0 $0x100000, s0;
	[bflag:$0x2] =	sbarrier.arrive $0xFFFF  }
0x152: {  	[sflag:s0] =	ssyncadd.tile.s32 @!p0 $0x1;
	_ =	shalt  }
.LBB2_1:
.Ltmp3:
0x153: {  	(pc) =	sbr.rel .LBB2_6-.Ltmp3, $2  }
0x154: {  	_ =	sdelay $0x2  }
0x155: {  	_ = 	snop  }
.LBB2_7:
.Ltmp4:
0x156: {  	(pc) =	sbr.rel .LBB2_6-.Ltmp4, $2  }
0x157: {  	_ =	sdelay $0x2  }
0x158: {  	s26 =	simm.s32 @!p0 $0x1  }
.Lfunc_end2:
_tile_overlayer_lowered:
.L_overlay_start_2:
0x159: {  	(tag) =	ssettag $0x2  }
0x15a: {  	s0 =	rddreg [dreg:$0x0];
	s2 =	stileid.u32  }
0x15b: {  	s1 =	rddreg [dreg:$0x1];
	p0 =	sne.s32 s2, $0x0  }
0x15c: {  	s3 =	rddreg [dreg:$0x2];
	[bflag:$0x3] =	sbarrier.arrive $0xFFFF;
	s2 =	simm.s32 @!p0 $0x1C01  }
0x15d: {  	[timem:s3], [sflag:s2] =	dma.local @!p0 [hbm:s0], s1  }
0x15e: {  	s0 =	simm.s32 @!p0 $0x1  }
0x15f: {  	_ =	swait.ge @!p0 [sflag:s0], s1  }
0x160: {  	s1 =	ssub.s32 @!p0 $0x0, s1;
	[sflag:s0] =	ssyncset.done @!p0 $0x0  }
0x161: {  	[sflag:s0] =	ssyncadd.s32 @!p0 s1  }
0x162: {  	[bflag:$0x3] =	sbarrier.arrive $0xFFFF  }
0x163: {  	_ =	shalt  }

</sc_bundles>
